<compile_context>
chip_gen: v7x
topology: tpu7x:2x2x1
jax: 0.10.2.dev20260603
libtpu: 0.0.44.dev20260713+nightly
codegen_flags: <defaults>
</compile_context>

<pallas_src>
import functools

import jax
import jax.numpy as jnp
from jax import lax
from jax.experimental import pallas as pl
from jax.experimental.pallas import tpu as pltpu
from jax.experimental.pallas import tpu_sc as plsc

NC = 2
NS = 16
NW = NC * NS
L = 16
SCAN = 8192
BCAP = 16384
PADSLOT = BCAP

_mesh = plsc.VectorSubcoreMesh(core_axis_name="c", subcore_axis_name="s")


def _make_sc_agg(E, n_src_pad, n_tgt, D):
  TR = n_tgt // NW
  NVT = TR // L
  TSHIFT = 14 + (TR.bit_length() - 1)
  NCHUNK = E // SCAN
  PAD = n_src_pad - 8

  def body(xp_hbm, pk_hbm, agg_hbm, deg_hbm,
           ebuf0, ebuf1, mine, srt, acc, gb0, gb1, hist, cnt, base, degt,
           idx_a, idx_b, degf, esem0, esem1, sem_a, sem_b):
    c = lax.axis_index("c")
    s = lax.axis_index("s")
    tid = c * NS + s
    iota = lax.iota(jnp.int32, L)
    zi = jnp.zeros((L,), jnp.int32)

    def zrow(i, carry):
      for kb in range(D // L):
        acc[i, pl.ds(kb * L, L)] = jnp.zeros((L,), jnp.float32)
      return carry
    lax.fori_loop(0, TR, zrow, 0)
    for kb in range(NVT):
      degt[pl.ds(kb * L, L)] = zi
      degf[pl.ds(kb * L, L)] = jnp.zeros((L,), jnp.float32)
    srt[pl.ds(PADSLOT, L)] = zi + PAD

    def process_batch(bcnt):
      return jnp.int32(0)

    def process_batch_dead(bcnt):
      for kb in range(NVT):
        hist[pl.ds(kb * L, L)] = zi
        cnt[pl.ds(kb * L, L)] = zi

      def occ_terms(k):
        lanes = k * L + iota
        m = lanes < bcnt
        v = mine[pl.ds(k * L, L)]
        dlr = jnp.bitwise_and(lax.shift_right_logical(v, 14), TR - 1)
        sk, sp, om = plsc.sort_key_val(dlr, iota, mask=m)
        spc = jnp.where(om, sp, 0)
        sv = v.at[spc].get(mode="promise_in_bounds")
        om32 = jnp.where(om, 1, 0)
        skp = sk.at[jnp.maximum(iota - 1, 0)].get(mode="promise_in_bounds")
        bstart = (sk != skp) | (iota == 0)
        runstart = plsc.cummax(jnp.where(bstart, iota, 0))
        duprank = iota - runstart
        nxt = jnp.minimum(iota + 1, L - 1)
        skn = sk.at[nxt].get(mode="promise_in_bounds")
        omn = om32.at[nxt].get(mode="promise_in_bounds")
        lastm = om & ((skn != sk) | (omn == 0) | (iota == L - 1))
        total = duprank + 1
        return sv, sk, om, duprank, lastm, total

      nv = (bcnt + L - 1) // L

      def p1(k, carry):
        _, dl, _, _, lastm, total = occ_terms(k)
        plsc.addupdate_scatter(hist, [dl], total, mask=lastm)
        return carry
      lax.fori_loop(0, nv, p1, 0)

      running = jnp.int32(0)
      mv = zi
      for kb in range(NVT):
        hv = hist[pl.ds(kb * L, L)]
        inc = plsc.cumsum(hv)
        base[pl.ds(kb * L, L)] = inc - hv + running
        running = running + inc[15]
        mv = jnp.maximum(mv, hv)
      rmax = lax.reduce_max(mv.astype(jnp.float32), axes=(0,)).astype(jnp.int32)

      def p2(k, carry):
        sv, dl, om, duprank, lastm, total = occ_terms(k)
        g = plsc.load_gather(cnt, [dl], mask=om)
        b = plsc.load_gather(base, [dl], mask=om)
        pos = jnp.minimum(b + g + duprank, BCAP - 1)
        src = jnp.bitwise_and(sv, 16383)
        plsc.store_scatter(srt, [pos], src, mask=om)
        plsc.addupdate_scatter(cnt, [dl], total, mask=lastm)
        return carry
      lax.fori_loop(0, nv, p2, 0)

      def build(r, idxb):
        rv = zi + r
        for kb in range(NVT):
          bv = base[pl.ds(kb * L, L)]
          dv = hist[pl.ds(kb * L, L)]
          slot = jnp.where(rv < dv, bv + rv, PADSLOT)
          idxb[pl.ds(kb * L, L)] = plsc.load_gather(srt, [slot])

      def addinto(gb):
        def arow(i, carry):
          return carry
        lax.fori_loop(0, TR, arow, 0)

      build(jnp.int32(0), idx_a)
      pltpu.async_copy(xp_hbm.at[idx_a], gb0, sem_a)

      def rnd2(i, carry):
        r = 2 * i
        pltpu.make_async_copy(xp_hbm.at[idx_a], gb0, sem_a).wait()
        build(r + 1, idx_b)
        pltpu.async_copy(xp_hbm.at[idx_b], gb1, sem_b)
        addinto(gb0)
        pltpu.make_async_copy(xp_hbm.at[idx_b], gb1, sem_b).wait()
        build(r + 2, idx_a)
        pltpu.async_copy(xp_hbm.at[idx_a], gb0, sem_a)
        addinto(gb1)
        return carry
      lax.fori_loop(0, (jnp.maximum(rmax, 1) + 1) // 2, rnd2, 0)
      pltpu.make_async_copy(xp_hbm.at[idx_a], gb0, sem_a).wait()

      for kb in range(NVT):
        degt[pl.ds(kb * L, L)] = degt[pl.ds(kb * L, L)] + hist[pl.ds(kb * L, L)]
      return jnp.int32(0)

    def scan_chunk(ebuf, mcnt):
      def sv(k, mc):
        v = ebuf[pl.ds(k * L, L)]
        own = lax.shift_right_logical(v, TSHIFT) == tid
        plsc.store_compressed(mine.at[pl.ds(mc, L)], v, mask=own)
        n = plsc.all_reduce_population_count(own)
        return mc + n[0]
      return lax.fori_loop(0, SCAN // L, sv, mcnt)

    pltpu.async_copy(pk_hbm.at[pl.ds(0, SCAN)], ebuf0, esem0)
    mcnt = jnp.int32(0)
    for ch in range(NCHUNK):
      eb = ebuf0 if ch % 2 == 0 else ebuf1
      es = esem0 if ch % 2 == 0 else esem1
      pltpu.make_async_copy(pk_hbm.at[pl.ds(0, SCAN)], eb, es).wait()
      if ch + 1 < NCHUNK:
        nb = ebuf1 if ch % 2 == 0 else ebuf0
        ns = esem1 if ch % 2 == 0 else esem0
        pltpu.async_copy(pk_hbm.at[pl.ds((ch + 1) * SCAN, SCAN)], nb, ns)
      mcnt = scan_chunk(eb, mcnt)
      mcnt = lax.cond(mcnt >= SCAN, process_batch, lambda b: b, mcnt)
    mcnt = process_batch(mcnt)

    for kb in range(NVT):
      degf[pl.ds(kb * L, L)] = degt[pl.ds(kb * L, L)].astype(jnp.float32)

    pltpu.sync_copy(acc, agg_hbm.at[pl.ds(tid * TR, TR)])
    pltpu.sync_copy(degf, deg_hbm.at[pl.ds(tid * TR, TR)])

  return pl.kernel(
      body,
      out_type=(jax.ShapeDtypeStruct((n_tgt, D), jnp.float32),
                jax.ShapeDtypeStruct((n_tgt,), jnp.float32)),
      mesh=_mesh,
      scratch_types=[
          pltpu.VMEM((SCAN,), jnp.int32),
          pltpu.VMEM((SCAN,), jnp.int32),
          pltpu.VMEM((BCAP + L,), jnp.int32),
          pltpu.VMEM((BCAP + L,), jnp.int32),
          pltpu.VMEM((TR, D), jnp.float32),
          pltpu.VMEM((TR, D), jnp.float32),
          pltpu.VMEM((TR, D), jnp.float32),
          pltpu.VMEM((TR,), jnp.int32),
          pltpu.VMEM((TR,), jnp.int32),
          pltpu.VMEM((TR,), jnp.int32),
          pltpu.VMEM((TR,), jnp.int32),
          pltpu.VMEM((TR,), jnp.int32),
          pltpu.VMEM((TR,), jnp.int32),
          pltpu.VMEM((TR,), jnp.float32),
          pltpu.SemaphoreType.DMA,
          pltpu.SemaphoreType.DMA,
          pltpu.SemaphoreType.DMA,
          pltpu.SemaphoreType.DMA,
      ],
      compiler_params=pltpu.CompilerParams(needs_layout_passes=False),
  )


_sc_agg0 = _make_sc_agg(131072, 10008, 4096, 128)
_sc_agg1 = _make_sc_agg(32768, 4104, 1024, 256)


def _tc_body(a_ref, d_ref, w_ref, b_ref, o_ref, *, last):
  deg = d_ref[...]
  m = a_ref[...] / jnp.maximum(deg, 1.0)
  h = jnp.dot(m, w_ref[...], preferred_element_type=jnp.float32) + b_ref[...]
  if last:
    mx = jnp.max(h, axis=-1, keepdims=True)
    lse = jnp.log(jnp.sum(jnp.exp(h - mx), axis=-1, keepdims=True)) + mx
    o_ref[...] = h - lse
  else:
    o_ref[...] = jnp.maximum(h, 0.0)


def _tc_dense(acc, deg, W, b, last):
  return pl.pallas_call(
      functools.partial(_tc_body, last=last),
      out_shape=jax.ShapeDtypeStruct((acc.shape[0], W.shape[1]), jnp.float32),
  )(acc, deg.reshape(-1, 1), W, b.reshape(1, -1))


def kernel(x, adj0, adj1, W0, b0, W1, b1):
  xp = jnp.concatenate([x, jnp.zeros((8, x.shape[1]), x.dtype)], axis=0)
  pk0 = adj0[1] * 16384 + adj0[0]
  pk1 = adj1[1] * 16384 + adj1[0]
  agg0, deg0 = _sc_agg0(xp, pk0)
  h1 = _tc_dense(agg0, deg0, W0, b0, last=False)
  h1p = jnp.concatenate([h1, jnp.zeros((8, h1.shape[1]), h1.dtype)], axis=0)
  agg1, deg1 = _sc_agg1(h1p, pk1)
  return _tc_dense(agg1, deg1, W1, b1, last=True)

# --- scband reference (transcript-rebuilt; emitter-appended) ---
"""Pipeline reference for scband-hy-conv-ind-ft-30648886624883 (READ-ONLY COPY).

The authoritative reference and input builder live on the scoring server;
editing this copy changes nothing except your own understanding.
"""

import jax, jax.numpy as jnp
import numpy as np


def setup_inputs(seed: int = 0):
    key = jax.random.key(seed)
    ks = jax.random.split(key, 8)
    N0, N1, N2 = 10000, 4096, 1024
    E0, E1 = 131072, 32768
    d, h, c = 128, 256, 64
    x = jax.random.normal(ks[0], (N0, d), dtype=jnp.float32)
    src0 = jax.random.randint(ks[1], (E0,), 0, N0)
    dst0 = jax.random.randint(ks[2], (E0,), 0, N1)
    adj0 = jnp.stack([src0, dst0], axis=0)
    src1 = jax.random.randint(ks[3], (E1,), 0, N1)
    dst1 = jax.random.randint(ks[4], (E1,), 0, N2)
    adj1 = jnp.stack([src1, dst1], axis=0)
    W0 = jax.random.normal(ks[5], (d, h), dtype=jnp.float32) * (1.0 / np.sqrt(d))
    b0 = jnp.zeros((h,), dtype=jnp.float32)
    W1 = jax.random.normal(ks[6], (h, c), dtype=jnp.float32) * (1.0 / np.sqrt(h))
    b1 = jnp.zeros((c,), dtype=jnp.float32)
    return {"x": x, "adj0": adj0, "adj1": adj1, "W0": W0, "b0": b0, "W1": W1, "b1": b1}


def _hyconv(x_all, n_target, adj, W, b):
    # Bipartite (inductive) hypergraph conv: gather source-node features along
    # adj[0], mean-aggregate onto n_target targets along adj[1], then linear.
    src = adj[0]
    dst = adj[1]
    msgs = jnp.take(x_all, src, axis=0)
    agg = jax.ops.segment_sum(msgs, dst, num_segments=n_target)
    deg = jax.ops.segment_sum(jnp.ones((src.shape[0],), dtype=x_all.dtype), dst, num_segments=n_target)
    agg = agg / jnp.clip(deg, 1.0, None)[:, None]
    return agg @ W + b


def reference(x, adj0, adj1, W0, b0, W1, b1):
    # Layer 0 (i=0): conv -> relu -> dropout (identity in eval mode)
    h1 = _hyconv(x, 4096, adj0, W0, b0)
    h1 = jax.nn.relu(h1)
    # Layer 1 (i=1, last layer): conv only (i != 1 is False)
    h2 = _hyconv(h1, 1024, adj1, W1, b1)
    return jax.nn.log_softmax(h2, axis=-1)

if __name__ == "__main__":
    import jax
    _d = setup_inputs()
    print(jax.jit(kernel)(*tuple(_d.values())))

</pallas_src>

<mosaic_0001>
#map = affine_map<(d0, d1) -> (0, 0)>
#map1 = affine_map<(d0, d1) -> (0)>
module attributes {stable_mosaic.version = 14 : i64} {
  func.func @body(%arg0: i32, %arg1: i32, %arg2: memref<4104x256xf32, #tpu.memory_space<hbm>>, %arg3: memref<32768xi32, #tpu.memory_space<hbm>>, %arg4: memref<1024x256xf32, #tpu.memory_space<hbm>>, %arg5: memref<1024xf32, #tpu.memory_space<hbm>>, %arg6: memref<8192xi32, #tpu.memory_space<vmem>>, %arg7: memref<8192xi32, #tpu.memory_space<vmem>>, %arg8: memref<16400xi32, #tpu.memory_space<vmem>>, %arg9: memref<16400xi32, #tpu.memory_space<vmem>>, %arg10: memref<32x256xf32, #tpu.memory_space<vmem>>, %arg11: memref<32x256xf32, #tpu.memory_space<vmem>>, %arg12: memref<32x256xf32, #tpu.memory_space<vmem>>, %arg13: memref<32xi32, #tpu.memory_space<vmem>>, %arg14: memref<32xi32, #tpu.memory_space<vmem>>, %arg15: memref<32xi32, #tpu.memory_space<vmem>>, %arg16: memref<32xi32, #tpu.memory_space<vmem>>, %arg17: memref<32xi32, #tpu.memory_space<vmem>>, %arg18: memref<32xi32, #tpu.memory_space<vmem>>, %arg19: memref<32xf32, #tpu.memory_space<vmem>>, %arg20: memref<!tpu.dma_semaphore, #tpu.memory_space<semaphore_mem>>, %arg21: memref<!tpu.dma_semaphore, #tpu.memory_space<semaphore_mem>>, %arg22: memref<!tpu.dma_semaphore, #tpu.memory_space<semaphore_mem>>, %arg23: memref<!tpu.dma_semaphore, #tpu.memory_space<semaphore_mem>>) attributes {dimension_semantics = [#tpu.dimension_semantics<core_parallel>, #tpu.dimension_semantics<subcore_parallel>], iteration_bounds = array<i64: 2, 16>, scalar_prefetch = 0 : i64, scratch_operands = 18 : i64, tpu.core_type = #tpu.core_type<sc_vector_subcore>, window_params = [{transform_indices = #map}, {transform_indices = #map1}, {transform_indices = #map}, {transform_indices = #map1}]} {
    %mul3A = arith.constant 16 : i32
    %mul3A_0 = arith.muli %arg0, %mul3A : i32
    %add3A = arith.addi %mul3A_0, %arg1 : i32
    %iota3A = tpu.iota {dimensions = array<i32: 0>} : vector<16xi32>
    %broadcast_in_dim3A = arith.constant 0 : i32
    %broadcast_in_dim3A_1 = vector.broadcast %broadcast_in_dim3A : i32 to vector<16xi32>
    %scan3A = arith.constant 0 : i32
    %scan3A_2 = arith.constant 0 : i32
    %scan3A_3 = arith.constant 32 : i32
    %scan3A_4 = arith.addi %scan3A_2, %scan3A_3 : i32
    %scan3A_5 = arith.constant 1 : i32
    scf.for %scan3A_112 = %scan3A_2 to %scan3A_4 step %scan3A_5  : i32 {
      %broadcast_in_dim3A_113 = arith.constant 0.000000e+00 : f32
      %broadcast_in_dim3A_114 = vector.broadcast %broadcast_in_dim3A_113 : f32 to vector<16xf32>
      %swap3A_115 = arith.index_cast %scan3A_112 : i32 to index
      %swap3A_116 = arith.constant 0 : index
      %swap3A_117 = tpu.vector_load %arg10[%swap3A_115, %swap3A_116] {strides = array<i32>} : memref<32x256xf32, #tpu.memory_space<vmem>>, vector<16xf32>,
      tpu.vector_store %arg10[%swap3A_115, %swap3A_116], %broadcast_in_dim3A_114 {strides = array<i32>} : memref<32x256xf32, #tpu.memory_space<vmem>>, vector<16xf32>,
      %broadcast_in_dim3A_118 = arith.constant 0.000000e+00 : f32
      %broadcast_in_dim3A_119 = vector.broadcast %broadcast_in_dim3A_118 : f32 to vector<16xf32>
      %swap3A_120 = arith.index_cast %scan3A_112 : i32 to index
      %swap3A_121 = arith.constant 16 : index
      %swap3A_122 = tpu.vector_load %arg10[%swap3A_120, %swap3A_121] {strides = array<i32>} : memref<32x256xf32, #tpu.memory_space<vmem>>, vector<16xf32>,
      tpu.vector_store %arg10[%swap3A_120, %swap3A_121], %broadcast_in_dim3A_119 {strides = array<i32>} : memref<32x256xf32, #tpu.memory_space<vmem>>, vector<16xf32>,
      %broadcast_in_dim3A_123 = arith.constant 0.000000e+00 : f32
      %broadcast_in_dim3A_124 = vector.broadcast %broadcast_in_dim3A_123 : f32 to vector<16xf32>
      %swap3A_125 = arith.index_cast %scan3A_112 : i32 to index
      %swap3A_126 = arith.constant 32 : index
      %swap3A_127 = tpu.vector_load %arg10[%swap3A_125, %swap3A_126] {strides = array<i32>} : memref<32x256xf32, #tpu.memory_space<vmem>>, vector<16xf32>,
      tpu.vector_store %arg10[%swap3A_125, %swap3A_126], %broadcast_in_dim3A_124 {strides = array<i32>} : memref<32x256xf32, #tpu.memory_space<vmem>>, vector<16xf32>,
      %broadcast_in_dim3A_128 = arith.constant 0.000000e+00 : f32
      %broadcast_in_dim3A_129 = vector.broadcast %broadcast_in_dim3A_128 : f32 to vector<16xf32>
      %swap3A_130 = arith.index_cast %scan3A_112 : i32 to index
      %swap3A_131 = arith.constant 48 : index
      %swap3A_132 = tpu.vector_load %arg10[%swap3A_130, %swap3A_131] {strides = array<i32>} : memref<32x256xf32, #tpu.memory_space<vmem>>, vector<16xf32>,
      tpu.vector_store %arg10[%swap3A_130, %swap3A_131], %broadcast_in_dim3A_129 {strides = array<i32>} : memref<32x256xf32, #tpu.memory_space<vmem>>, vector<16xf32>,
      %broadcast_in_dim3A_133 = arith.constant 0.000000e+00 : f32
      %broadcast_in_dim3A_134 = vector.broadcast %broadcast_in_dim3A_133 : f32 to vector<16xf32>
      %swap3A_135 = arith.index_cast %scan3A_112 : i32 to index
      %swap3A_136 = arith.constant 64 : index
      %swap3A_137 = tpu.vector_load %arg10[%swap3A_135, %swap3A_136] {strides = array<i32>} : memref<32x256xf32, #tpu.memory_space<vmem>>, vector<16xf32>,
      tpu.vector_store %arg10[%swap3A_135, %swap3A_136], %broadcast_in_dim3A_134 {strides = array<i32>} : memref<32x256xf32, #tpu.memory_space<vmem>>, vector<16xf32>,
      %broadcast_in_dim3A_138 = arith.constant 0.000000e+00 : f32
      %broadcast_in_dim3A_139 = vector.broadcast %broadcast_in_dim3A_138 : f32 to vector<16xf32>
      %swap3A_140 = arith.index_cast %scan3A_112 : i32 to index
      %swap3A_141 = arith.constant 80 : index
      %swap3A_142 = tpu.vector_load %arg10[%swap3A_140, %swap3A_141] {strides = array<i32>} : memref<32x256xf32, #tpu.memory_space<vmem>>, vector<16xf32>,
      tpu.vector_store %arg10[%swap3A_140, %swap3A_141], %broadcast_in_dim3A_139 {strides = array<i32>} : memref<32x256xf32, #tpu.memory_space<vmem>>, vector<16xf32>,
      %broadcast_in_dim3A_143 = arith.constant 0.000000e+00 : f32
      %broadcast_in_dim3A_144 = vector.broadcast %broadcast_in_dim3A_143 : f32 to vector<16xf32>
      %swap3A_145 = arith.index_cast %scan3A_112 : i32 to index
      %swap3A_146 = arith.constant 96 : index
      %swap3A_147 = tpu.vector_load %arg10[%swap3A_145, %swap3A_146] {strides = array<i32>} : memref<32x256xf32, #tpu.memory_space<vmem>>, vector<16xf32>,
      tpu.vector_store %arg10[%swap3A_145, %swap3A_146], %broadcast_in_dim3A_144 {strides = array<i32>} : memref<32x256xf32, #tpu.memory_space<vmem>>, vector<16xf32>,
      %broadcast_in_dim3A_148 = arith.constant 0.000000e+00 : f32
      %broadcast_in_dim3A_149 = vector.broadcast %broadcast_in_dim3A_148 : f32 to vector<16xf32>
      %swap3A_150 = arith.index_cast %scan3A_112 : i32 to index
      %swap3A_151 = arith.constant 112 : index
      %swap3A_152 = tpu.vector_load %arg10[%swap3A_150, %swap3A_151] {strides = array<i32>} : memref<32x256xf32, #tpu.memory_space<vmem>>, vector<16xf32>,
      tpu.vector_store %arg10[%swap3A_150, %swap3A_151], %broadcast_in_dim3A_149 {strides = array<i32>} : memref<32x256xf32, #tpu.memory_space<vmem>>, vector<16xf32>,
      %broadcast_in_dim3A_153 = arith.constant 0.000000e+00 : f32
      %broadcast_in_dim3A_154 = vector.broadcast %broadcast_in_dim3A_153 : f32 to vector<16xf32>
      %swap3A_155 = arith.index_cast %scan3A_112 : i32 to index
      %swap3A_156 = arith.constant 128 : index
      %swap3A_157 = tpu.vector_load %arg10[%swap3A_155, %swap3A_156] {strides = array<i32>} : memref<32x256xf32, #tpu.memory_space<vmem>>, vector<16xf32>,
      tpu.vector_store %arg10[%swap3A_155, %swap3A_156], %broadcast_in_dim3A_154 {strides = array<i32>} : memref<32x256xf32, #tpu.memory_space<vmem>>, vector<16xf32>,
      %broadcast_in_dim3A_158 = arith.constant 0.000000e+00 : f32
      %broadcast_in_dim3A_159 = vector.broadcast %broadcast_in_dim3A_158 : f32 to vector<16xf32>
      %swap3A_160 = arith.index_cast %scan3A_112 : i32 to index
      %swap3A_161 = arith.constant 144 : index
      %swap3A_162 = tpu.vector_load %arg10[%swap3A_160, %swap3A_161] {strides = array<i32>} : memref<32x256xf32, #tpu.memory_space<vmem>>, vector<16xf32>,
      tpu.vector_store %arg10[%swap3A_160, %swap3A_161], %broadcast_in_dim3A_159 {strides = array<i32>} : memref<32x256xf32, #tpu.memory_space<vmem>>, vector<16xf32>,
      %broadcast_in_dim3A_163 = arith.constant 0.000000e+00 : f32
      %broadcast_in_dim3A_164 = vector.broadcast %broadcast_in_dim3A_163 : f32 to vector<16xf32>
      %swap3A_165 = arith.index_cast %scan3A_112 : i32 to index
      %swap3A_166 = arith.constant 160 : index
      %swap3A_167 = tpu.vector_load %arg10[%swap3A_165, %swap3A_166] {strides = array<i32>} : memref<32x256xf32, #tpu.memory_space<vmem>>, vector<16xf32>,
      tpu.vector_store %arg10[%swap3A_165, %swap3A_166], %broadcast_in_dim3A_164 {strides = array<i32>} : memref<32x256xf32, #tpu.memory_space<vmem>>, vector<16xf32>,
      %broadcast_in_dim3A_168 = arith.constant 0.000000e+00 : f32
      %broadcast_in_dim3A_169 = vector.broadcast %broadcast_in_dim3A_168 : f32 to vector<16xf32>
      %swap3A_170 = arith.index_cast %scan3A_112 : i32 to index
      %swap3A_171 = arith.constant 176 : index
      %swap3A_172 = tpu.vector_load %arg10[%swap3A_170, %swap3A_171] {strides = array<i32>} : memref<32x256xf32, #tpu.memory_space<vmem>>, vector<16xf32>,
      tpu.vector_store %arg10[%swap3A_170, %swap3A_171], %broadcast_in_dim3A_169 {strides = array<i32>} : memref<32x256xf32, #tpu.memory_space<vmem>>, vector<16xf32>,
      %broadcast_in_dim3A_173 = arith.constant 0.000000e+00 : f32
      %broadcast_in_dim3A_174 = vector.broadcast %broadcast_in_dim3A_173 : f32 to vector<16xf32>
      %swap3A_175 = arith.index_cast %scan3A_112 : i32 to index
      %swap3A_176 = arith.constant 192 : index
      %swap3A_177 = tpu.vector_load %arg10[%swap3A_175, %swap3A_176] {strides = array<i32>} : memref<32x256xf32, #tpu.memory_space<vmem>>, vector<16xf32>,
      tpu.vector_store %arg10[%swap3A_175, %swap3A_176], %broadcast_in_dim3A_174 {strides = array<i32>} : memref<32x256xf32, #tpu.memory_space<vmem>>, vector<16xf32>,
      %broadcast_in_dim3A_178 = arith.constant 0.000000e+00 : f32
      %broadcast_in_dim3A_179 = vector.broadcast %broadcast_in_dim3A_178 : f32 to vector<16xf32>
      %swap3A_180 = arith.index_cast %scan3A_112 : i32 to index
      %swap3A_181 = arith.constant 208 : index
      %swap3A_182 = tpu.vector_load %arg10[%swap3A_180, %swap3A_181] {strides = array<i32>} : memref<32x256xf32, #tpu.memory_space<vmem>>, vector<16xf32>,
      tpu.vector_store %arg10[%swap3A_180, %swap3A_181], %broadcast_in_dim3A_179 {strides = array<i32>} : memref<32x256xf32, #tpu.memory_space<vmem>>, vector<16xf32>,
      %broadcast_in_dim3A_183 = arith.constant 0.000000e+00 : f32
      %broadcast_in_dim3A_184 = vector.broadcast %broadcast_in_dim3A_183 : f32 to vector<16xf32>
      %swap3A_185 = arith.index_cast %scan3A_112 : i32 to index
      %swap3A_186 = arith.constant 224 : index
      %swap3A_187 = tpu.vector_load %arg10[%swap3A_185, %swap3A_186] {strides = array<i32>} : memref<32x256xf32, #tpu.memory_space<vmem>>, vector<16xf32>,
      tpu.vector_store %arg10[%swap3A_185, %swap3A_186], %broadcast_in_dim3A_184 {strides = array<i32>} : memref<32x256xf32, #tpu.memory_space<vmem>>, vector<16xf32>,
      %broadcast_in_dim3A_188 = arith.constant 0.000000e+00 : f32
      %broadcast_in_dim3A_189 = vector.broadcast %broadcast_in_dim3A_188 : f32 to vector<16xf32>
      %swap3A_190 = arith.index_cast %scan3A_112 : i32 to index
      %swap3A_191 = arith.constant 240 : index
      %swap3A_192 = tpu.vector_load %arg10[%swap3A_190, %swap3A_191] {strides = array<i32>} : memref<32x256xf32, #tpu.memory_space<vmem>>, vector<16xf32>,
      tpu.vector_store %arg10[%swap3A_190, %swap3A_191], %broadcast_in_dim3A_189 {strides = array<i32>} : memref<32x256xf32, #tpu.memory_space<vmem>>, vector<16xf32>,
    }
    %scan3A_6 = arith.constant 32 : i32
    %swap3A = arith.constant 0 : index
    %swap3A_7 = tpu.vector_load %arg16[%swap3A] {strides = array<i32>} : memref<32xi32, #tpu.memory_space<vmem>>, vector<16xi32>,
    tpu.vector_store %arg16[%swap3A], %broadcast_in_dim3A_1 {strides = array<i32>} : memref<32xi32, #tpu.memory_space<vmem>>, vector<16xi32>,
    %broadcast_in_dim3A_8 = arith.constant 0.000000e+00 : f32
    %broadcast_in_dim3A_9 = vector.broadcast %broadcast_in_dim3A_8 : f32 to vector<16xf32>
    %swap3A_10 = arith.constant 0 : index
    %swap3A_11 = tpu.vector_load %arg19[%swap3A_10] {strides = array<i32>} : memref<32xf32, #tpu.memory_space<vmem>>, vector<16xf32>,
    tpu.vector_store %arg19[%swap3A_10], %broadcast_in_dim3A_9 {strides = array<i32>} : memref<32xf32, #tpu.memory_space<vmem>>, vector<16xf32>,
    %swap3A_12 = arith.constant 16 : index
    %swap3A_13 = tpu.vector_load %arg16[%swap3A_12] {strides = array<i32>} : memref<32xi32, #tpu.memory_space<vmem>>, vector<16xi32>,
    tpu.vector_store %arg16[%swap3A_12], %broadcast_in_dim3A_1 {strides = array<i32>} : memref<32xi32, #tpu.memory_space<vmem>>, vector<16xi32>,
    %broadcast_in_dim3A_14 = arith.constant 0.000000e+00 : f32
    %broadcast_in_dim3A_15 = vector.broadcast %broadcast_in_dim3A_14 : f32 to vector<16xf32>
    %swap3A_16 = arith.constant 16 : index
    %swap3A_17 = tpu.vector_load %arg19[%swap3A_16] {strides = array<i32>} : memref<32xf32, #tpu.memory_space<vmem>>, vector<16xf32>,
    tpu.vector_store %arg19[%swap3A_16], %broadcast_in_dim3A_15 {strides = array<i32>} : memref<32xf32, #tpu.memory_space<vmem>>, vector<16xf32>,
    %add3A_18 = arith.constant 4096 : i32
    %add3A_19 = vector.broadcast %add3A_18 : i32 to vector<16xi32>
    %add3A_20 = arith.addi %broadcast_in_dim3A_1, %add3A_19 : vector<16xi32>
    %swap3A_21 = arith.constant 16384 : index
    %swap3A_22 = tpu.vector_load %arg9[%swap3A_21] {strides = array<i32>} : memref<16400xi32, #tpu.memory_space<vmem>>, vector<16xi32>,
    tpu.vector_store %arg9[%swap3A_21], %add3A_20 {strides = array<i32>} : memref<16400xi32, #tpu.memory_space<vmem>>, vector<16xi32>,
    %dma_start3A = arith.constant 0 : i32
    %dma_start3A_23 = tpu.memref_slice %arg3[%dma_start3A] : memref<32768xi32, #tpu.memory_space<hbm>> -> memref<8192xi32, #tpu.memory_space<hbm>>
    %dma_start3A_24 = arith.constant 0 : i32
    %dma_start3A_25 = tpu.memref_slice %arg3[%dma_start3A_24] : memref<32768xi32, #tpu.memory_space<hbm>> -> memref<8192xi32, #tpu.memory_space<hbm>>
    tpu.enqueue_dma source(%dma_start3A_25 : memref<8192xi32, #tpu.memory_space<hbm>>) target(%arg6 : memref<8192xi32, #tpu.memory_space<vmem>>) target_semaphore(%arg20 : memref<!tpu.dma_semaphore, #tpu.memory_space<semaphore_mem>>)
    %dma_wait3A = arith.constant 0 : i32
    %dma_wait3A_26 = tpu.memref_slice %arg3[%dma_wait3A] : memref<32768xi32, #tpu.memory_space<hbm>> -> memref<8192xi32, #tpu.memory_space<hbm>>
    %dma_wait3A_27 = arith.constant 0 : i32
    %dma_wait3A_28 = tpu.memref_slice %arg3[%dma_wait3A_27] : memref<32768xi32, #tpu.memory_space<hbm>> -> memref<8192xi32, #tpu.memory_space<hbm>>
    tpu.wait_dma2 semaphore(%arg20 : memref<!tpu.dma_semaphore, #tpu.memory_space<semaphore_mem>>) src(%dma_wait3A_28 : memref<8192xi32, #tpu.memory_space<hbm>>) dst(%arg6 : memref<8192xi32, #tpu.memory_space<vmem>>)
    %dma_start3A_29 = arith.constant 8192 : i32
    %dma_start3A_30 = tpu.memref_slice %arg3[%dma_start3A_29] : memref<32768xi32, #tpu.memory_space<hbm>> -> memref<8192xi32, #tpu.memory_space<hbm>>
    %dma_start3A_31 = arith.constant 8192 : i32
    %dma_start3A_32 = tpu.memref_slice %arg3[%dma_start3A_31] : memref<32768xi32, #tpu.memory_space<hbm>> -> memref<8192xi32, #tpu.memory_space<hbm>>
    tpu.enqueue_dma source(%dma_start3A_32 : memref<8192xi32, #tpu.memory_space<hbm>>) target(%arg7 : memref<8192xi32, #tpu.memory_space<vmem>>) target_semaphore(%arg21 : memref<!tpu.dma_semaphore, #tpu.memory_space<semaphore_mem>>)
    %scan3A_33 = arith.constant 0 : i32
    %scan3A_34 = arith.constant 0 : i32
    %scan3A_35 = arith.constant 512 : i32
    %scan3A_36 = arith.addi %scan3A_34, %scan3A_35 : i32
    %scan3A_37 = arith.constant 1 : i32
    %scan3A_38 = scf.for %scan3A_112 = %scan3A_34 to %scan3A_36 step %scan3A_37 iter_args(%scan3A_113 = %scan3A_33) -> (i32)  : i32 {
      %mul3A_114 = arith.constant 16 : i32
      %mul3A_115 = arith.muli %scan3A_112, %mul3A_114 : i32
      %get3A_116 = arith.index_cast %mul3A_115 : i32 to index
      %get3A_117 = tpu.vector_load %arg6[%get3A_116] {strides = array<i32>} : memref<8192xi32, #tpu.memory_space<vmem>>, vector<16xi32>,
      %shift_right_logical3A = arith.constant 19 : i32
      %shift_right_logical3A_118 = vector.broadcast %shift_right_logical3A : i32 to vector<16xi32>
      %shift_right_logical3A_119 = arith.shrui %get3A_117, %shift_right_logical3A_118 : vector<16xi32>
      %eq3A = vector.broadcast %add3A : i32 to vector<16xi32>
      %eq3A_120 = arith.cmpi eq, %shift_right_logical3A_119, %eq3A : vector<16xi32>
      %swap3A_121 = arith.index_cast %scan3A_113 : i32 to index
      %swap3A_122 = tpu.vector_load %arg8[%swap3A_121] masked %eq3A_120 {strides = array<i32>} : memref<16400xi32, #tpu.memory_space<vmem>>, vector<16xi32>, vector<16xi1>
      tpu.vector_store %arg8[%swap3A_121], %get3A_117 masked %eq3A_120 {strides = array<i32>} : memref<16400xi32, #tpu.memory_space<vmem>>, vector<16xi32>, vector<16xi1>
      %all_reduce_population_count3A = tpu.all_reduce %eq3A_120 {dim = 0 : i64, kind = #tpu.reduction_kind<sum>} : vector<16xi1> -> vector<16xi32>
      %slice3A = vector.extract_strided_slice %all_reduce_population_count3A {offsets = [0], sizes = [1], strides = [1]} : vector<16xi32> to vector<1xi32>
      %squeeze3A = vector.extract %slice3A[0] : i32 from vector<1xi32>
      %add3A_123 = arith.addi %scan3A_113, %squeeze3A : i32
      scf.yield %add3A_123 : i32
    }
    %scan3A_39 = arith.constant 512 : i32
    %ge3A = arith.constant 8192 : i32
    %ge3A_40 = arith.cmpi sge, %scan3A_38, %ge3A : i32
    %convert_element_type3A = arith.extui %ge3A_40 : i1 to i32
    %cond3A = arith.constant 0 : i32
    %cond3A_41 = arith.cmpi ne, %convert_element_type3A, %cond3A : i32
    %cond3A_42 = scf.if %cond3A_41 -> (i32) {
      %cond3A_112 = arith.constant 0 : i32
      scf.yield %cond3A_112 : i32
    } else {
      scf.yield %scan3A_38 : i32
    }
    %dma_wait3A_43 = arith.constant 0 : i32
    %dma_wait3A_44 = tpu.memref_slice %arg3[%dma_wait3A_43] : memref<32768xi32, #tpu.memory_space<hbm>> -> memref<8192xi32, #tpu.memory_space<hbm>>
    %dma_wait3A_45 = arith.constant 0 : i32
    %dma_wait3A_46 = tpu.memref_slice %arg3[%dma_wait3A_45] : memref<32768xi32, #tpu.memory_space<hbm>> -> memref<8192xi32, #tpu.memory_space<hbm>>
    tpu.wait_dma2 semaphore(%arg21 : memref<!tpu.dma_semaphore, #tpu.memory_space<semaphore_mem>>) src(%dma_wait3A_46 : memref<8192xi32, #tpu.memory_space<hbm>>) dst(%arg7 : memref<8192xi32, #tpu.memory_space<vmem>>)
    %dma_start3A_47 = arith.constant 16384 : i32
    %dma_start3A_48 = tpu.memref_slice %arg3[%dma_start3A_47] : memref<32768xi32, #tpu.memory_space<hbm>> -> memref<8192xi32, #tpu.memory_space<hbm>>
    %dma_start3A_49 = arith.constant 16384 : i32
    %dma_start3A_50 = tpu.memref_slice %arg3[%dma_start3A_49] : memref<32768xi32, #tpu.memory_space<hbm>> -> memref<8192xi32, #tpu.memory_space<hbm>>
    tpu.enqueue_dma source(%dma_start3A_50 : memref<8192xi32, #tpu.memory_space<hbm>>) target(%arg6 : memref<8192xi32, #tpu.memory_space<vmem>>) target_semaphore(%arg20 : memref<!tpu.dma_semaphore, #tpu.memory_space<semaphore_mem>>)
    %scan3A_51 = arith.constant 0 : i32
    %scan3A_52 = arith.constant 512 : i32
    %scan3A_53 = arith.addi %scan3A_51, %scan3A_52 : i32
    %scan3A_54 = arith.constant 1 : i32
    %scan3A_55 = scf.for %scan3A_112 = %scan3A_51 to %scan3A_53 step %scan3A_54 iter_args(%scan3A_113 = %cond3A_42) -> (i32)  : i32 {
      %mul3A_114 = arith.constant 16 : i32
      %mul3A_115 = arith.muli %scan3A_112, %mul3A_114 : i32
      %get3A_116 = arith.index_cast %mul3A_115 : i32 to index
      %get3A_117 = tpu.vector_load %arg7[%get3A_116] {strides = array<i32>} : memref<8192xi32, #tpu.memory_space<vmem>>, vector<16xi32>,
      %shift_right_logical3A = arith.constant 19 : i32
      %shift_right_logical3A_118 = vector.broadcast %shift_right_logical3A : i32 to vector<16xi32>
      %shift_right_logical3A_119 = arith.shrui %get3A_117, %shift_right_logical3A_118 : vector<16xi32>
      %eq3A = vector.broadcast %add3A : i32 to vector<16xi32>
      %eq3A_120 = arith.cmpi eq, %shift_right_logical3A_119, %eq3A : vector<16xi32>
      %swap3A_121 = arith.index_cast %scan3A_113 : i32 to index
      %swap3A_122 = tpu.vector_load %arg8[%swap3A_121] masked %eq3A_120 {strides = array<i32>} : memref<16400xi32, #tpu.memory_space<vmem>>, vector<16xi32>, vector<16xi1>
      tpu.vector_store %arg8[%swap3A_121], %get3A_117 masked %eq3A_120 {strides = array<i32>} : memref<16400xi32, #tpu.memory_space<vmem>>, vector<16xi32>, vector<16xi1>
      %all_reduce_population_count3A = tpu.all_reduce %eq3A_120 {dim = 0 : i64, kind = #tpu.reduction_kind<sum>} : vector<16xi1> -> vector<16xi32>
      %slice3A = vector.extract_strided_slice %all_reduce_population_count3A {offsets = [0], sizes = [1], strides = [1]} : vector<16xi32> to vector<1xi32>
      %squeeze3A = vector.extract %slice3A[0] : i32 from vector<1xi32>
      %add3A_123 = arith.addi %scan3A_113, %squeeze3A : i32
      scf.yield %add3A_123 : i32
    }
    %scan3A_56 = arith.constant 512 : i32
    %ge3A_57 = arith.constant 8192 : i32
    %ge3A_58 = arith.cmpi sge, %scan3A_55, %ge3A_57 : i32
    %convert_element_type3A_59 = arith.extui %ge3A_58 : i1 to i32
    %cond3A_60 = arith.constant 0 : i32
    %cond3A_61 = arith.cmpi ne, %convert_element_type3A_59, %cond3A_60 : i32
    %cond3A_62 = scf.if %cond3A_61 -> (i32) {
      %cond3A_112 = arith.constant 0 : i32
      scf.yield %cond3A_112 : i32
    } else {
      scf.yield %scan3A_55 : i32
    }
    %dma_wait3A_63 = arith.constant 0 : i32
    %dma_wait3A_64 = tpu.memref_slice %arg3[%dma_wait3A_63] : memref<32768xi32, #tpu.memory_space<hbm>> -> memref<8192xi32, #tpu.memory_space<hbm>>
    %dma_wait3A_65 = arith.constant 0 : i32
    %dma_wait3A_66 = tpu.memref_slice %arg3[%dma_wait3A_65] : memref<32768xi32, #tpu.memory_space<hbm>> -> memref<8192xi32, #tpu.memory_space<hbm>>
    tpu.wait_dma2 semaphore(%arg20 : memref<!tpu.dma_semaphore, #tpu.memory_space<semaphore_mem>>) src(%dma_wait3A_66 : memref<8192xi32, #tpu.memory_space<hbm>>) dst(%arg6 : memref<8192xi32, #tpu.memory_space<vmem>>)
    %dma_start3A_67 = arith.constant 24576 : i32
    %dma_start3A_68 = tpu.memref_slice %arg3[%dma_start3A_67] : memref<32768xi32, #tpu.memory_space<hbm>> -> memref<8192xi32, #tpu.memory_space<hbm>>
    %dma_start3A_69 = arith.constant 24576 : i32
    %dma_start3A_70 = tpu.memref_slice %arg3[%dma_start3A_69] : memref<32768xi32, #tpu.memory_space<hbm>> -> memref<8192xi32, #tpu.memory_space<hbm>>
    tpu.enqueue_dma source(%dma_start3A_70 : memref<8192xi32, #tpu.memory_space<hbm>>) target(%arg7 : memref<8192xi32, #tpu.memory_space<vmem>>) target_semaphore(%arg21 : memref<!tpu.dma_semaphore, #tpu.memory_space<semaphore_mem>>)
    %scan3A_71 = arith.constant 0 : i32
    %scan3A_72 = arith.constant 512 : i32
    %scan3A_73 = arith.addi %scan3A_71, %scan3A_72 : i32
    %scan3A_74 = arith.constant 1 : i32
    %scan3A_75 = scf.for %scan3A_112 = %scan3A_71 to %scan3A_73 step %scan3A_74 iter_args(%scan3A_113 = %cond3A_62) -> (i32)  : i32 {
      %mul3A_114 = arith.constant 16 : i32
      %mul3A_115 = arith.muli %scan3A_112, %mul3A_114 : i32
      %get3A_116 = arith.index_cast %mul3A_115 : i32 to index
      %get3A_117 = tpu.vector_load %arg6[%get3A_116] {strides = array<i32>} : memref<8192xi32, #tpu.memory_space<vmem>>, vector<16xi32>,
      %shift_right_logical3A = arith.constant 19 : i32
      %shift_right_logical3A_118 = vector.broadcast %shift_right_logical3A : i32 to vector<16xi32>
      %shift_right_logical3A_119 = arith.shrui %get3A_117, %shift_right_logical3A_118 : vector<16xi32>
      %eq3A = vector.broadcast %add3A : i32 to vector<16xi32>
      %eq3A_120 = arith.cmpi eq, %shift_right_logical3A_119, %eq3A : vector<16xi32>
      %swap3A_121 = arith.index_cast %scan3A_113 : i32 to index
      %swap3A_122 = tpu.vector_load %arg8[%swap3A_121] masked %eq3A_120 {strides = array<i32>} : memref<16400xi32, #tpu.memory_space<vmem>>, vector<16xi32>, vector<16xi1>
      tpu.vector_store %arg8[%swap3A_121], %get3A_117 masked %eq3A_120 {strides = array<i32>} : memref<16400xi32, #tpu.memory_space<vmem>>, vector<16xi32>, vector<16xi1>
      %all_reduce_population_count3A = tpu.all_reduce %eq3A_120 {dim = 0 : i64, kind = #tpu.reduction_kind<sum>} : vector<16xi1> -> vector<16xi32>
      %slice3A = vector.extract_strided_slice %all_reduce_population_count3A {offsets = [0], sizes = [1], strides = [1]} : vector<16xi32> to vector<1xi32>
      %squeeze3A = vector.extract %slice3A[0] : i32 from vector<1xi32>
      %add3A_123 = arith.addi %scan3A_113, %squeeze3A : i32
      scf.yield %add3A_123 : i32
    }
    %scan3A_76 = arith.constant 512 : i32
    %ge3A_77 = arith.constant 8192 : i32
    %ge3A_78 = arith.cmpi sge, %scan3A_75, %ge3A_77 : i32
    %convert_element_type3A_79 = arith.extui %ge3A_78 : i1 to i32
    %cond3A_80 = arith.constant 0 : i32
    %cond3A_81 = arith.cmpi ne, %convert_element_type3A_79, %cond3A_80 : i32
    %cond3A_82 = scf.if %cond3A_81 -> (i32) {
      %cond3A_112 = arith.constant 0 : i32
      scf.yield %cond3A_112 : i32
    } else {
      scf.yield %scan3A_75 : i32
    }
    %dma_wait3A_83 = arith.constant 0 : i32
    %dma_wait3A_84 = tpu.memref_slice %arg3[%dma_wait3A_83] : memref<32768xi32, #tpu.memory_space<hbm>> -> memref<8192xi32, #tpu.memory_space<hbm>>
    %dma_wait3A_85 = arith.constant 0 : i32
    %dma_wait3A_86 = tpu.memref_slice %arg3[%dma_wait3A_85] : memref<32768xi32, #tpu.memory_space<hbm>> -> memref<8192xi32, #tpu.memory_space<hbm>>
    tpu.wait_dma2 semaphore(%arg21 : memref<!tpu.dma_semaphore, #tpu.memory_space<semaphore_mem>>) src(%dma_wait3A_86 : memref<8192xi32, #tpu.memory_space<hbm>>) dst(%arg7 : memref<8192xi32, #tpu.memory_space<vmem>>)
    %scan3A_87 = arith.constant 0 : i32
    %scan3A_88 = arith.constant 512 : i32
    %scan3A_89 = arith.addi %scan3A_87, %scan3A_88 : i32
    %scan3A_90 = arith.constant 1 : i32
    %scan3A_91 = scf.for %scan3A_112 = %scan3A_87 to %scan3A_89 step %scan3A_90 iter_args(%scan3A_113 = %cond3A_82) -> (i32)  : i32 {
      %mul3A_114 = arith.constant 16 : i32
      %mul3A_115 = arith.muli %scan3A_112, %mul3A_114 : i32
      %get3A_116 = arith.index_cast %mul3A_115 : i32 to index
      %get3A_117 = tpu.vector_load %arg7[%get3A_116] {strides = array<i32>} : memref<8192xi32, #tpu.memory_space<vmem>>, vector<16xi32>,
      %shift_right_logical3A = arith.constant 19 : i32
      %shift_right_logical3A_118 = vector.broadcast %shift_right_logical3A : i32 to vector<16xi32>
      %shift_right_logical3A_119 = arith.shrui %get3A_117, %shift_right_logical3A_118 : vector<16xi32>
      %eq3A = vector.broadcast %add3A : i32 to vector<16xi32>
      %eq3A_120 = arith.cmpi eq, %shift_right_logical3A_119, %eq3A : vector<16xi32>
      %swap3A_121 = arith.index_cast %scan3A_113 : i32 to index
      %swap3A_122 = tpu.vector_load %arg8[%swap3A_121] masked %eq3A_120 {strides = array<i32>} : memref<16400xi32, #tpu.memory_space<vmem>>, vector<16xi32>, vector<16xi1>
      tpu.vector_store %arg8[%swap3A_121], %get3A_117 masked %eq3A_120 {strides = array<i32>} : memref<16400xi32, #tpu.memory_space<vmem>>, vector<16xi32>, vector<16xi1>
      %all_reduce_population_count3A = tpu.all_reduce %eq3A_120 {dim = 0 : i64, kind = #tpu.reduction_kind<sum>} : vector<16xi1> -> vector<16xi32>
      %slice3A = vector.extract_strided_slice %all_reduce_population_count3A {offsets = [0], sizes = [1], strides = [1]} : vector<16xi32> to vector<1xi32>
      %squeeze3A = vector.extract %slice3A[0] : i32 from vector<1xi32>
      %add3A_123 = arith.addi %scan3A_113, %squeeze3A : i32
      scf.yield %add3A_123 : i32
    }
    %scan3A_92 = arith.constant 512 : i32
    %ge3A_93 = arith.constant 8192 : i32
    %ge3A_94 = arith.cmpi sge, %scan3A_91, %ge3A_93 : i32
    %convert_element_type3A_95 = arith.extui %ge3A_94 : i1 to i32
    %cond3A_96 = arith.constant 0 : i32
    %cond3A_97 = arith.cmpi ne, %convert_element_type3A_95, %cond3A_96 : i32
    %cond3A_98 = scf.if %cond3A_97 -> (i32) {
      %cond3A_112 = arith.constant 0 : i32
      scf.yield %cond3A_112 : i32
    } else {
      scf.yield %scan3A_91 : i32
    }
    %get3A = arith.constant 0 : index
    %get3A_99 = tpu.vector_load %arg16[%get3A] {strides = array<i32>} : memref<32xi32, #tpu.memory_space<vmem>>, vector<16xi32>,
    %convert_element_type3A_100 = arith.sitofp %get3A_99 : vector<16xi32> to vector<16xf32>
    %swap3A_101 = arith.constant 0 : index
    %swap3A_102 = tpu.vector_load %arg19[%swap3A_101] {strides = array<i32>} : memref<32xf32, #tpu.memory_space<vmem>>, vector<16xf32>,
    tpu.vector_store %arg19[%swap3A_101], %convert_element_type3A_100 {strides = array<i32>} : memref<32xf32, #tpu.memory_space<vmem>>, vector<16xf32>,
    %get3A_103 = arith.constant 16 : index
    %get3A_104 = tpu.vector_load %arg16[%get3A_103] {strides = array<i32>} : memref<32xi32, #tpu.memory_space<vmem>>, vector<16xi32>,
    %convert_element_type3A_105 = arith.sitofp %get3A_104 : vector<16xi32> to vector<16xf32>
    %swap3A_106 = arith.constant 16 : index
    %swap3A_107 = tpu.vector_load %arg19[%swap3A_106] {strides = array<i32>} : memref<32xf32, #tpu.memory_space<vmem>>, vector<16xf32>,
    tpu.vector_store %arg19[%swap3A_106], %convert_element_type3A_105 {strides = array<i32>} : memref<32xf32, #tpu.memory_space<vmem>>, vector<16xf32>,
    %mul3A_108 = arith.constant 32 : i32
    %mul3A_109 = arith.muli %add3A, %mul3A_108 : i32
    "tpu.region"() ({
      %run_scoped3A = tpu.sem_alloc : memref<!tpu.dma_semaphore, #tpu.memory_space<semaphore_mem>>
      %dma_start3A_112 = arith.constant 0 : i32
      %dma_start3A_113 = tpu.memref_slice %arg4[%mul3A_109, %dma_start3A_112] : memref<1024x256xf32, #tpu.memory_space<hbm>> -> memref<32x256xf32, #tpu.memory_space<hbm>>
      %dma_start3A_114 = arith.constant 0 : i32
      %dma_start3A_115 = tpu.memref_slice %arg4[%mul3A_109, %dma_start3A_114] : memref<1024x256xf32, #tpu.memory_space<hbm>> -> memref<32x256xf32, #tpu.memory_space<hbm>>
      tpu.enqueue_dma source(%arg10 : memref<32x256xf32, #tpu.memory_space<vmem>>) target(%dma_start3A_115 : memref<32x256xf32, #tpu.memory_space<hbm>>) target_semaphore(%run_scoped3A : memref<!tpu.dma_semaphore, #tpu.memory_space<semaphore_mem>>)
      %dma_wait3A_116 = arith.constant 0 : i32
      %dma_wait3A_117 = tpu.memref_slice %arg4[%mul3A_109, %dma_wait3A_116] : memref<1024x256xf32, #tpu.memory_space<hbm>> -> memref<32x256xf32, #tpu.memory_space<hbm>>
      %dma_wait3A_118 = arith.constant 0 : i32
      %dma_wait3A_119 = tpu.memref_slice %arg4[%mul3A_109, %dma_wait3A_118] : memref<1024x256xf32, #tpu.memory_space<hbm>> -> memref<32x256xf32, #tpu.memory_space<hbm>>
      tpu.wait_dma2 semaphore(%run_scoped3A : memref<!tpu.dma_semaphore, #tpu.memory_space<semaphore_mem>>) src(%arg10 : memref<32x256xf32, #tpu.memory_space<vmem>>) dst(%dma_wait3A_119 : memref<32x256xf32, #tpu.memory_space<hbm>>)
      tpu.yield
    }) : () -> ()
    %mul3A_110 = arith.constant 32 : i32
    %mul3A_111 = arith.muli %add3A, %mul3A_110 : i32
    "tpu.region"() ({
      %run_scoped3A = tpu.sem_alloc : memref<!tpu.dma_semaphore, #tpu.memory_space<semaphore_mem>>
      %dma_start3A_112 = tpu.memref_slice %arg5[%mul3A_111] : memref<1024xf32, #tpu.memory_space<hbm>> -> memref<32xf32, #tpu.memory_space<hbm>>
      %dma_start3A_113 = tpu.memref_slice %arg5[%mul3A_111] : memref<1024xf32, #tpu.memory_space<hbm>> -> memref<32xf32, #tpu.memory_space<hbm>>
      tpu.enqueue_dma source(%arg19 : memref<32xf32, #tpu.memory_space<vmem>>) target(%dma_start3A_113 : memref<32xf32, #tpu.memory_space<hbm>>) target_semaphore(%run_scoped3A : memref<!tpu.dma_semaphore, #tpu.memory_space<semaphore_mem>>)
      %dma_wait3A_114 = tpu.memref_slice %arg5[%mul3A_111] : memref<1024xf32, #tpu.memory_space<hbm>> -> memref<32xf32, #tpu.memory_space<hbm>>
      %dma_wait3A_115 = tpu.memref_slice %arg5[%mul3A_111] : memref<1024xf32, #tpu.memory_space<hbm>> -> memref<32xf32, #tpu.memory_space<hbm>>
      tpu.wait_dma2 semaphore(%run_scoped3A : memref<!tpu.dma_semaphore, #tpu.memory_space<semaphore_mem>>) src(%arg19 : memref<32xf32, #tpu.memory_space<vmem>>) dst(%dma_wait3A_115 : memref<32xf32, #tpu.memory_space<hbm>>)
      tpu.yield
    }) : () -> ()
    return
  }
}

#map = affine_map<(d0, d1) -> (0, 0)>
#map1 = affine_map<(d0, d1) -> (0)>
module attributes {stable_mosaic.version = 14 : i64} {
  func.func @body(%arg0: i32, %arg1: i32, %arg2: memref<10008x128xf32, #tpu.memory_space<hbm>>, %arg3: memref<131072xi32, #tpu.memory_space<hbm>>, %arg4: memref<4096x128xf32, #tpu.memory_space<hbm>>, %arg5: memref<4096xf32, #tpu.memory_space<hbm>>, %arg6: memref<8192xi32, #tpu.memory_space<vmem>>, %arg7: memref<8192xi32, #tpu.memory_space<vmem>>, %arg8: memref<16400xi32, #tpu.memory_space<vmem>>, %arg9: memref<16400xi32, #tpu.memory_space<vmem>>, %arg10: memref<128x128xf32, #tpu.memory_space<vmem>>, %arg11: memref<128x128xf32, #tpu.memory_space<vmem>>, %arg12: memref<128x128xf32, #tpu.memory_space<vmem>>, %arg13: memref<128xi32, #tpu.memory_space<vmem>>, %arg14: memref<128xi32, #tpu.memory_space<vmem>>, %arg15: memref<128xi32, #tpu.memory_space<vmem>>, %arg16: memref<128xi32, #tpu.memory_space<vmem>>, %arg17: memref<128xi32, #tpu.memory_space<vmem>>, %arg18: memref<128xi32, #tpu.memory_space<vmem>>, %arg19: memref<128xf32, #tpu.memory_space<vmem>>, %arg20: memref<!tpu.dma_semaphore, #tpu.memory_space<semaphore_mem>>, %arg21: memref<!tpu.dma_semaphore, #tpu.memory_space<semaphore_mem>>, %arg22: memref<!tpu.dma_semaphore, #tpu.memory_space<semaphore_mem>>, %arg23: memref<!tpu.dma_semaphore, #tpu.memory_space<semaphore_mem>>) attributes {dimension_semantics = [#tpu.dimension_semantics<core_parallel>, #tpu.dimension_semantics<subcore_parallel>], iteration_bounds = array<i64: 2, 16>, scalar_prefetch = 0 : i64, scratch_operands = 18 : i64, tpu.core_type = #tpu.core_type<sc_vector_subcore>, window_params = [{transform_indices = #map}, {transform_indices = #map1}, {transform_indices = #map}, {transform_indices = #map1}]} {
    %mul3A = arith.constant 16 : i32
    %mul3A_0 = arith.muli %arg0, %mul3A : i32
    %add3A = arith.addi %mul3A_0, %arg1 : i32
    %iota3A = tpu.iota {dimensions = array<i32: 0>} : vector<16xi32>
    %broadcast_in_dim3A = arith.constant 0 : i32
    %broadcast_in_dim3A_1 = vector.broadcast %broadcast_in_dim3A : i32 to vector<16xi32>
    %scan3A = arith.constant 0 : i32
    %scan3A_2 = arith.constant 0 : i32
    %scan3A_3 = arith.constant 128 : i32
    %scan3A_4 = arith.addi %scan3A_2, %scan3A_3 : i32
    %scan3A_5 = arith.constant 1 : i32
    scf.for %scan3A_418 = %scan3A_2 to %scan3A_4 step %scan3A_5  : i32 {
      %broadcast_in_dim3A_419 = arith.constant 0.000000e+00 : f32
      %broadcast_in_dim3A_420 = vector.broadcast %broadcast_in_dim3A_419 : f32 to vector<16xf32>
      %swap3A_421 = arith.index_cast %scan3A_418 : i32 to index
      %swap3A_422 = arith.constant 0 : index
      %swap3A_423 = tpu.vector_load %arg10[%swap3A_421, %swap3A_422] {strides = array<i32>} : memref<128x128xf32, #tpu.memory_space<vmem>>, vector<16xf32>,
      tpu.vector_store %arg10[%swap3A_421, %swap3A_422], %broadcast_in_dim3A_420 {strides = array<i32>} : memref<128x128xf32, #tpu.memory_space<vmem>>, vector<16xf32>,
      %broadcast_in_dim3A_424 = arith.constant 0.000000e+00 : f32
      %broadcast_in_dim3A_425 = vector.broadcast %broadcast_in_dim3A_424 : f32 to vector<16xf32>
      %swap3A_426 = arith.index_cast %scan3A_418 : i32 to index
      %swap3A_427 = arith.constant 16 : index
      %swap3A_428 = tpu.vector_load %arg10[%swap3A_426, %swap3A_427] {strides = array<i32>} : memref<128x128xf32, #tpu.memory_space<vmem>>, vector<16xf32>,
      tpu.vector_store %arg10[%swap3A_426, %swap3A_427], %broadcast_in_dim3A_425 {strides = array<i32>} : memref<128x128xf32, #tpu.memory_space<vmem>>, vector<16xf32>,
      %broadcast_in_dim3A_429 = arith.constant 0.000000e+00 : f32
      %broadcast_in_dim3A_430 = vector.broadcast %broadcast_in_dim3A_429 : f32 to vector<16xf32>
      %swap3A_431 = arith.index_cast %scan3A_418 : i32 to index
      %swap3A_432 = arith.constant 32 : index
      %swap3A_433 = tpu.vector_load %arg10[%swap3A_431, %swap3A_432] {strides = array<i32>} : memref<128x128xf32, #tpu.memory_space<vmem>>, vector<16xf32>,
      tpu.vector_store %arg10[%swap3A_431, %swap3A_432], %broadcast_in_dim3A_430 {strides = array<i32>} : memref<128x128xf32, #tpu.memory_space<vmem>>, vector<16xf32>,
      %broadcast_in_dim3A_434 = arith.constant 0.000000e+00 : f32
      %broadcast_in_dim3A_435 = vector.broadcast %broadcast_in_dim3A_434 : f32 to vector<16xf32>
      %swap3A_436 = arith.index_cast %scan3A_418 : i32 to index
      %swap3A_437 = arith.constant 48 : index
      %swap3A_438 = tpu.vector_load %arg10[%swap3A_436, %swap3A_437] {strides = array<i32>} : memref<128x128xf32, #tpu.memory_space<vmem>>, vector<16xf32>,
      tpu.vector_store %arg10[%swap3A_436, %swap3A_437], %broadcast_in_dim3A_435 {strides = array<i32>} : memref<128x128xf32, #tpu.memory_space<vmem>>, vector<16xf32>,
      %broadcast_in_dim3A_439 = arith.constant 0.000000e+00 : f32
      %broadcast_in_dim3A_440 = vector.broadcast %broadcast_in_dim3A_439 : f32 to vector<16xf32>
      %swap3A_441 = arith.index_cast %scan3A_418 : i32 to index
      %swap3A_442 = arith.constant 64 : index
      %swap3A_443 = tpu.vector_load %arg10[%swap3A_441, %swap3A_442] {strides = array<i32>} : memref<128x128xf32, #tpu.memory_space<vmem>>, vector<16xf32>,
      tpu.vector_store %arg10[%swap3A_441, %swap3A_442], %broadcast_in_dim3A_440 {strides = array<i32>} : memref<128x128xf32, #tpu.memory_space<vmem>>, vector<16xf32>,
      %broadcast_in_dim3A_444 = arith.constant 0.000000e+00 : f32
      %broadcast_in_dim3A_445 = vector.broadcast %broadcast_in_dim3A_444 : f32 to vector<16xf32>
      %swap3A_446 = arith.index_cast %scan3A_418 : i32 to index
      %swap3A_447 = arith.constant 80 : index
      %swap3A_448 = tpu.vector_load %arg10[%swap3A_446, %swap3A_447] {strides = array<i32>} : memref<128x128xf32, #tpu.memory_space<vmem>>, vector<16xf32>,
      tpu.vector_store %arg10[%swap3A_446, %swap3A_447], %broadcast_in_dim3A_445 {strides = array<i32>} : memref<128x128xf32, #tpu.memory_space<vmem>>, vector<16xf32>,
      %broadcast_in_dim3A_449 = arith.constant 0.000000e+00 : f32
      %broadcast_in_dim3A_450 = vector.broadcast %broadcast_in_dim3A_449 : f32 to vector<16xf32>
      %swap3A_451 = arith.index_cast %scan3A_418 : i32 to index
      %swap3A_452 = arith.constant 96 : index
      %swap3A_453 = tpu.vector_load %arg10[%swap3A_451, %swap3A_452] {strides = array<i32>} : memref<128x128xf32, #tpu.memory_space<vmem>>, vector<16xf32>,
      tpu.vector_store %arg10[%swap3A_451, %swap3A_452], %broadcast_in_dim3A_450 {strides = array<i32>} : memref<128x128xf32, #tpu.memory_space<vmem>>, vector<16xf32>,
      %broadcast_in_dim3A_454 = arith.constant 0.000000e+00 : f32
      %broadcast_in_dim3A_455 = vector.broadcast %broadcast_in_dim3A_454 : f32 to vector<16xf32>
      %swap3A_456 = arith.index_cast %scan3A_418 : i32 to index
      %swap3A_457 = arith.constant 112 : index
      %swap3A_458 = tpu.vector_load %arg10[%swap3A_456, %swap3A_457] {strides = array<i32>} : memref<128x128xf32, #tpu.memory_space<vmem>>, vector<16xf32>,
      tpu.vector_store %arg10[%swap3A_456, %swap3A_457], %broadcast_in_dim3A_455 {strides = array<i32>} : memref<128x128xf32, #tpu.memory_space<vmem>>, vector<16xf32>,
    }
    %scan3A_6 = arith.constant 128 : i32
    %swap3A = arith.constant 0 : index
    %swap3A_7 = tpu.vector_load %arg16[%swap3A] {strides = array<i32>} : memref<128xi32, #tpu.memory_space<vmem>>, vector<16xi32>,
    tpu.vector_store %arg16[%swap3A], %broadcast_in_dim3A_1 {strides = array<i32>} : memref<128xi32, #tpu.memory_space<vmem>>, vector<16xi32>,
    %broadcast_in_dim3A_8 = arith.constant 0.000000e+00 : f32
    %broadcast_in_dim3A_9 = vector.broadcast %broadcast_in_dim3A_8 : f32 to vector<16xf32>
    %swap3A_10 = arith.constant 0 : index
    %swap3A_11 = tpu.vector_load %arg19[%swap3A_10] {strides = array<i32>} : memref<128xf32, #tpu.memory_space<vmem>>, vector<16xf32>,
    tpu.vector_store %arg19[%swap3A_10], %broadcast_in_dim3A_9 {strides = array<i32>} : memref<128xf32, #tpu.memory_space<vmem>>, vector<16xf32>,
    %swap3A_12 = arith.constant 16 : index
    %swap3A_13 = tpu.vector_load %arg16[%swap3A_12] {strides = array<i32>} : memref<128xi32, #tpu.memory_space<vmem>>, vector<16xi32>,
    tpu.vector_store %arg16[%swap3A_12], %broadcast_in_dim3A_1 {strides = array<i32>} : memref<128xi32, #tpu.memory_space<vmem>>, vector<16xi32>,
    %broadcast_in_dim3A_14 = arith.constant 0.000000e+00 : f32
    %broadcast_in_dim3A_15 = vector.broadcast %broadcast_in_dim3A_14 : f32 to vector<16xf32>
    %swap3A_16 = arith.constant 16 : index
    %swap3A_17 = tpu.vector_load %arg19[%swap3A_16] {strides = array<i32>} : memref<128xf32, #tpu.memory_space<vmem>>, vector<16xf32>,
    tpu.vector_store %arg19[%swap3A_16], %broadcast_in_dim3A_15 {strides = array<i32>} : memref<128xf32, #tpu.memory_space<vmem>>, vector<16xf32>,
    %swap3A_18 = arith.constant 32 : index
    %swap3A_19 = tpu.vector_load %arg16[%swap3A_18] {strides = array<i32>} : memref<128xi32, #tpu.memory_space<vmem>>, vector<16xi32>,
    tpu.vector_store %arg16[%swap3A_18], %broadcast_in_dim3A_1 {strides = array<i32>} : memref<128xi32, #tpu.memory_space<vmem>>, vector<16xi32>,
    %broadcast_in_dim3A_20 = arith.constant 0.000000e+00 : f32
    %broadcast_in_dim3A_21 = vector.broadcast %broadcast_in_dim3A_20 : f32 to vector<16xf32>
    %swap3A_22 = arith.constant 32 : index
    %swap3A_23 = tpu.vector_load %arg19[%swap3A_22] {strides = array<i32>} : memref<128xf32, #tpu.memory_space<vmem>>, vector<16xf32>,
    tpu.vector_store %arg19[%swap3A_22], %broadcast_in_dim3A_21 {strides = array<i32>} : memref<128xf32, #tpu.memory_space<vmem>>, vector<16xf32>,
    %swap3A_24 = arith.constant 48 : index
    %swap3A_25 = tpu.vector_load %arg16[%swap3A_24] {strides = array<i32>} : memref<128xi32, #tpu.memory_space<vmem>>, vector<16xi32>,
    tpu.vector_store %arg16[%swap3A_24], %broadcast_in_dim3A_1 {strides = array<i32>} : memref<128xi32, #tpu.memory_space<vmem>>, vector<16xi32>,
    %broadcast_in_dim3A_26 = arith.constant 0.000000e+00 : f32
    %broadcast_in_dim3A_27 = vector.broadcast %broadcast_in_dim3A_26 : f32 to vector<16xf32>
    %swap3A_28 = arith.constant 48 : index
    %swap3A_29 = tpu.vector_load %arg19[%swap3A_28] {strides = array<i32>} : memref<128xf32, #tpu.memory_space<vmem>>, vector<16xf32>,
    tpu.vector_store %arg19[%swap3A_28], %broadcast_in_dim3A_27 {strides = array<i32>} : memref<128xf32, #tpu.memory_space<vmem>>, vector<16xf32>,
    %swap3A_30 = arith.constant 64 : index
    %swap3A_31 = tpu.vector_load %arg16[%swap3A_30] {strides = array<i32>} : memref<128xi32, #tpu.memory_space<vmem>>, vector<16xi32>,
    tpu.vector_store %arg16[%swap3A_30], %broadcast_in_dim3A_1 {strides = array<i32>} : memref<128xi32, #tpu.memory_space<vmem>>, vector<16xi32>,
    %broadcast_in_dim3A_32 = arith.constant 0.000000e+00 : f32
    %broadcast_in_dim3A_33 = vector.broadcast %broadcast_in_dim3A_32 : f32 to vector<16xf32>
    %swap3A_34 = arith.constant 64 : index
    %swap3A_35 = tpu.vector_load %arg19[%swap3A_34] {strides = array<i32>} : memref<128xf32, #tpu.memory_space<vmem>>, vector<16xf32>,
    tpu.vector_store %arg19[%swap3A_34], %broadcast_in_dim3A_33 {strides = array<i32>} : memref<128xf32, #tpu.memory_space<vmem>>, vector<16xf32>,
    %swap3A_36 = arith.constant 80 : index
    %swap3A_37 = tpu.vector_load %arg16[%swap3A_36] {strides = array<i32>} : memref<128xi32, #tpu.memory_space<vmem>>, vector<16xi32>,
    tpu.vector_store %arg16[%swap3A_36], %broadcast_in_dim3A_1 {strides = array<i32>} : memref<128xi32, #tpu.memory_space<vmem>>, vector<16xi32>,
    %broadcast_in_dim3A_38 = arith.constant 0.000000e+00 : f32
    %broadcast_in_dim3A_39 = vector.broadcast %broadcast_in_dim3A_38 : f32 to vector<16xf32>
    %swap3A_40 = arith.constant 80 : index
    %swap3A_41 = tpu.vector_load %arg19[%swap3A_40] {strides = array<i32>} : memref<128xf32, #tpu.memory_space<vmem>>, vector<16xf32>,
    tpu.vector_store %arg19[%swap3A_40], %broadcast_in_dim3A_39 {strides = array<i32>} : memref<128xf32, #tpu.memory_space<vmem>>, vector<16xf32>,
    %swap3A_42 = arith.constant 96 : index
    %swap3A_43 = tpu.vector_load %arg16[%swap3A_42] {strides = array<i32>} : memref<128xi32, #tpu.memory_space<vmem>>, vector<16xi32>,
    tpu.vector_store %arg16[%swap3A_42], %broadcast_in_dim3A_1 {strides = array<i32>} : memref<128xi32, #tpu.memory_space<vmem>>, vector<16xi32>,
    %broadcast_in_dim3A_44 = arith.constant 0.000000e+00 : f32
    %broadcast_in_dim3A_45 = vector.broadcast %broadcast_in_dim3A_44 : f32 to vector<16xf32>
    %swap3A_46 = arith.constant 96 : index
    %swap3A_47 = tpu.vector_load %arg19[%swap3A_46] {strides = array<i32>} : memref<128xf32, #tpu.memory_space<vmem>>, vector<16xf32>,
    tpu.vector_store %arg19[%swap3A_46], %broadcast_in_dim3A_45 {strides = array<i32>} : memref<128xf32, #tpu.memory_space<vmem>>, vector<16xf32>,
    %swap3A_48 = arith.constant 112 : index
    %swap3A_49 = tpu.vector_load %arg16[%swap3A_48] {strides = array<i32>} : memref<128xi32, #tpu.memory_space<vmem>>, vector<16xi32>,
    tpu.vector_store %arg16[%swap3A_48], %broadcast_in_dim3A_1 {strides = array<i32>} : memref<128xi32, #tpu.memory_space<vmem>>, vector<16xi32>,
    %broadcast_in_dim3A_50 = arith.constant 0.000000e+00 : f32
    %broadcast_in_dim3A_51 = vector.broadcast %broadcast_in_dim3A_50 : f32 to vector<16xf32>
    %swap3A_52 = arith.constant 112 : index
    %swap3A_53 = tpu.vector_load %arg19[%swap3A_52] {strides = array<i32>} : memref<128xf32, #tpu.memory_space<vmem>>, vector<16xf32>,
    tpu.vector_store %arg19[%swap3A_52], %broadcast_in_dim3A_51 {strides = array<i32>} : memref<128xf32, #tpu.memory_space<vmem>>, vector<16xf32>,
    %add3A_54 = arith.constant 10000 : i32
    %add3A_55 = vector.broadcast %add3A_54 : i32 to vector<16xi32>
    %add3A_56 = arith.addi %broadcast_in_dim3A_1, %add3A_55 : vector<16xi32>
    %swap3A_57 = arith.constant 16384 : index
    %swap3A_58 = tpu.vector_load %arg9[%swap3A_57] {strides = array<i32>} : memref<16400xi32, #tpu.memory_space<vmem>>, vector<16xi32>,
    tpu.vector_store %arg9[%swap3A_57], %add3A_56 {strides = array<i32>} : memref<16400xi32, #tpu.memory_space<vmem>>, vector<16xi32>,
    %dma_start3A = arith.constant 0 : i32
    %dma_start3A_59 = tpu.memref_slice %arg3[%dma_start3A] : memref<131072xi32, #tpu.memory_space<hbm>> -> memref<8192xi32, #tpu.memory_space<hbm>>
    %dma_start3A_60 = arith.constant 0 : i32
    %dma_start3A_61 = tpu.memref_slice %arg3[%dma_start3A_60] : memref<131072xi32, #tpu.memory_space<hbm>> -> memref<8192xi32, #tpu.memory_space<hbm>>
    tpu.enqueue_dma source(%dma_start3A_61 : memref<8192xi32, #tpu.memory_space<hbm>>) target(%arg6 : memref<8192xi32, #tpu.memory_space<vmem>>) target_semaphore(%arg20 : memref<!tpu.dma_semaphore, #tpu.memory_space<semaphore_mem>>)
    %dma_wait3A = arith.constant 0 : i32
    %dma_wait3A_62 = tpu.memref_slice %arg3[%dma_wait3A] : memref<131072xi32, #tpu.memory_space<hbm>> -> memref<8192xi32, #tpu.memory_space<hbm>>
    %dma_wait3A_63 = arith.constant 0 : i32
    %dma_wait3A_64 = tpu.memref_slice %arg3[%dma_wait3A_63] : memref<131072xi32, #tpu.memory_space<hbm>> -> memref<8192xi32, #tpu.memory_space<hbm>>
    tpu.wait_dma2 semaphore(%arg20 : memref<!tpu.dma_semaphore, #tpu.memory_space<semaphore_mem>>) src(%dma_wait3A_64 : memref<8192xi32, #tpu.memory_space<hbm>>) dst(%arg6 : memref<8192xi32, #tpu.memory_space<vmem>>)
    %dma_start3A_65 = arith.constant 8192 : i32
    %dma_start3A_66 = tpu.memref_slice %arg3[%dma_start3A_65] : memref<131072xi32, #tpu.memory_space<hbm>> -> memref<8192xi32, #tpu.memory_space<hbm>>
    %dma_start3A_67 = arith.constant 8192 : i32
    %dma_start3A_68 = tpu.memref_slice %arg3[%dma_start3A_67] : memref<131072xi32, #tpu.memory_space<hbm>> -> memref<8192xi32, #tpu.memory_space<hbm>>
    tpu.enqueue_dma source(%dma_start3A_68 : memref<8192xi32, #tpu.memory_space<hbm>>) target(%arg7 : memref<8192xi32, #tpu.memory_space<vmem>>) target_semaphore(%arg21 : memref<!tpu.dma_semaphore, #tpu.memory_space<semaphore_mem>>)
    %scan3A_69 = arith.constant 0 : i32
    %scan3A_70 = arith.constant 0 : i32
    %scan3A_71 = arith.constant 512 : i32
    %scan3A_72 = arith.addi %scan3A_70, %scan3A_71 : i32
    %scan3A_73 = arith.constant 1 : i32
    %scan3A_74 = scf.for %scan3A_418 = %scan3A_70 to %scan3A_72 step %scan3A_73 iter_args(%scan3A_419 = %scan3A_69) -> (i32)  : i32 {
      %mul3A_420 = arith.constant 16 : i32
      %mul3A_421 = arith.muli %scan3A_418, %mul3A_420 : i32
      %get3A_422 = arith.index_cast %mul3A_421 : i32 to index
      %get3A_423 = tpu.vector_load %arg6[%get3A_422] {strides = array<i32>} : memref<8192xi32, #tpu.memory_space<vmem>>, vector<16xi32>,
      %shift_right_logical3A = arith.constant 21 : i32
      %shift_right_logical3A_424 = vector.broadcast %shift_right_logical3A : i32 to vector<16xi32>
      %shift_right_logical3A_425 = arith.shrui %get3A_423, %shift_right_logical3A_424 : vector<16xi32>
      %eq3A = vector.broadcast %add3A : i32 to vector<16xi32>
      %eq3A_426 = arith.cmpi eq, %shift_right_logical3A_425, %eq3A : vector<16xi32>
      %swap3A_427 = arith.index_cast %scan3A_419 : i32 to index
      %swap3A_428 = tpu.vector_load %arg8[%swap3A_427] masked %eq3A_426 {strides = array<i32>} : memref<16400xi32, #tpu.memory_space<vmem>>, vector<16xi32>, vector<16xi1>
      tpu.vector_store %arg8[%swap3A_427], %get3A_423 masked %eq3A_426 {strides = array<i32>} : memref<16400xi32, #tpu.memory_space<vmem>>, vector<16xi32>, vector<16xi1>
      %all_reduce_population_count3A = tpu.all_reduce %eq3A_426 {dim = 0 : i64, kind = #tpu.reduction_kind<sum>} : vector<16xi1> -> vector<16xi32>
      %slice3A = vector.extract_strided_slice %all_reduce_population_count3A {offsets = [0], sizes = [1], strides = [1]} : vector<16xi32> to vector<1xi32>
      %squeeze3A = vector.extract %slice3A[0] : i32 from vector<1xi32>
      %add3A_429 = arith.addi %scan3A_419, %squeeze3A : i32
      scf.yield %add3A_429 : i32
    }
    %scan3A_75 = arith.constant 512 : i32
    %ge3A = arith.constant 8192 : i32
    %ge3A_76 = arith.cmpi sge, %scan3A_74, %ge3A : i32
    %convert_element_type3A = arith.extui %ge3A_76 : i1 to i32
    %cond3A = arith.constant 0 : i32
    %cond3A_77 = arith.cmpi ne, %convert_element_type3A, %cond3A : i32
    %cond3A_78 = scf.if %cond3A_77 -> (i32) {
      %cond3A_418 = arith.constant 0 : i32
      scf.yield %cond3A_418 : i32
    } else {
      scf.yield %scan3A_74 : i32
    }
    %dma_wait3A_79 = arith.constant 0 : i32
    %dma_wait3A_80 = tpu.memref_slice %arg3[%dma_wait3A_79] : memref<131072xi32, #tpu.memory_space<hbm>> -> memref<8192xi32, #tpu.memory_space<hbm>>
    %dma_wait3A_81 = arith.constant 0 : i32
    %dma_wait3A_82 = tpu.memref_slice %arg3[%dma_wait3A_81] : memref<131072xi32, #tpu.memory_space<hbm>> -> memref<8192xi32, #tpu.memory_space<hbm>>
    tpu.wait_dma2 semaphore(%arg21 : memref<!tpu.dma_semaphore, #tpu.memory_space<semaphore_mem>>) src(%dma_wait3A_82 : memref<8192xi32, #tpu.memory_space<hbm>>) dst(%arg7 : memref<8192xi32, #tpu.memory_space<vmem>>)
    %dma_start3A_83 = arith.constant 16384 : i32
    %dma_start3A_84 = tpu.memref_slice %arg3[%dma_start3A_83] : memref<131072xi32, #tpu.memory_space<hbm>> -> memref<8192xi32, #tpu.memory_space<hbm>>
    %dma_start3A_85 = arith.constant 16384 : i32
    %dma_start3A_86 = tpu.memref_slice %arg3[%dma_start3A_85] : memref<131072xi32, #tpu.memory_space<hbm>> -> memref<8192xi32, #tpu.memory_space<hbm>>
    tpu.enqueue_dma source(%dma_start3A_86 : memref<8192xi32, #tpu.memory_space<hbm>>) target(%arg6 : memref<8192xi32, #tpu.memory_space<vmem>>) target_semaphore(%arg20 : memref<!tpu.dma_semaphore, #tpu.memory_space<semaphore_mem>>)
    %scan3A_87 = arith.constant 0 : i32
    %scan3A_88 = arith.constant 512 : i32
    %scan3A_89 = arith.addi %scan3A_87, %scan3A_88 : i32
    %scan3A_90 = arith.constant 1 : i32
    %scan3A_91 = scf.for %scan3A_418 = %scan3A_87 to %scan3A_89 step %scan3A_90 iter_args(%scan3A_419 = %cond3A_78) -> (i32)  : i32 {
      %mul3A_420 = arith.constant 16 : i32
      %mul3A_421 = arith.muli %scan3A_418, %mul3A_420 : i32
      %get3A_422 = arith.index_cast %mul3A_421 : i32 to index
      %get3A_423 = tpu.vector_load %arg7[%get3A_422] {strides = array<i32>} : memref<8192xi32, #tpu.memory_space<vmem>>, vector<16xi32>,
      %shift_right_logical3A = arith.constant 21 : i32
      %shift_right_logical3A_424 = vector.broadcast %shift_right_logical3A : i32 to vector<16xi32>
      %shift_right_logical3A_425 = arith.shrui %get3A_423, %shift_right_logical3A_424 : vector<16xi32>
      %eq3A = vector.broadcast %add3A : i32 to vector<16xi32>
      %eq3A_426 = arith.cmpi eq, %shift_right_logical3A_425, %eq3A : vector<16xi32>
      %swap3A_427 = arith.index_cast %scan3A_419 : i32 to index
      %swap3A_428 = tpu.vector_load %arg8[%swap3A_427] masked %eq3A_426 {strides = array<i32>} : memref<16400xi32, #tpu.memory_space<vmem>>, vector<16xi32>, vector<16xi1>
      tpu.vector_store %arg8[%swap3A_427], %get3A_423 masked %eq3A_426 {strides = array<i32>} : memref<16400xi32, #tpu.memory_space<vmem>>, vector<16xi32>, vector<16xi1>
      %all_reduce_population_count3A = tpu.all_reduce %eq3A_426 {dim = 0 : i64, kind = #tpu.reduction_kind<sum>} : vector<16xi1> -> vector<16xi32>
      %slice3A = vector.extract_strided_slice %all_reduce_population_count3A {offsets = [0], sizes = [1], strides = [1]} : vector<16xi32> to vector<1xi32>
      %squeeze3A = vector.extract %slice3A[0] : i32 from vector<1xi32>
      %add3A_429 = arith.addi %scan3A_419, %squeeze3A : i32
      scf.yield %add3A_429 : i32
    }
    %scan3A_92 = arith.constant 512 : i32
    %ge3A_93 = arith.constant 8192 : i32
    %ge3A_94 = arith.cmpi sge, %scan3A_91, %ge3A_93 : i32
    %convert_element_type3A_95 = arith.extui %ge3A_94 : i1 to i32
    %cond3A_96 = arith.constant 0 : i32
    %cond3A_97 = arith.cmpi ne, %convert_element_type3A_95, %cond3A_96 : i32
    %cond3A_98 = scf.if %cond3A_97 -> (i32) {
      %cond3A_418 = arith.constant 0 : i32
      scf.yield %cond3A_418 : i32
    } else {
      scf.yield %scan3A_91 : i32
    }
    %dma_wait3A_99 = arith.constant 0 : i32
    %dma_wait3A_100 = tpu.memref_slice %arg3[%dma_wait3A_99] : memref<131072xi32, #tpu.memory_space<hbm>> -> memref<8192xi32, #tpu.memory_space<hbm>>
    %dma_wait3A_101 = arith.constant 0 : i32
    %dma_wait3A_102 = tpu.memref_slice %arg3[%dma_wait3A_101] : memref<131072xi32, #tpu.memory_space<hbm>> -> memref<8192xi32, #tpu.memory_space<hbm>>
    tpu.wait_dma2 semaphore(%arg20 : memref<!tpu.dma_semaphore, #tpu.memory_space<semaphore_mem>>) src(%dma_wait3A_102 : memref<8192xi32, #tpu.memory_space<hbm>>) dst(%arg6 : memref<8192xi32, #tpu.memory_space<vmem>>)
    %dma_start3A_103 = arith.constant 24576 : i32
    %dma_start3A_104 = tpu.memref_slice %arg3[%dma_start3A_103] : memref<131072xi32, #tpu.memory_space<hbm>> -> memref<8192xi32, #tpu.memory_space<hbm>>
    %dma_start3A_105 = arith.constant 24576 : i32
    %dma_start3A_106 = tpu.memref_slice %arg3[%dma_start3A_105] : memref<131072xi32, #tpu.memory_space<hbm>> -> memref<8192xi32, #tpu.memory_space<hbm>>
    tpu.enqueue_dma source(%dma_start3A_106 : memref<8192xi32, #tpu.memory_space<hbm>>) target(%arg7 : memref<8192xi32, #tpu.memory_space<vmem>>) target_semaphore(%arg21 : memref<!tpu.dma_semaphore, #tpu.memory_space<semaphore_mem>>)
    %scan3A_107 = arith.constant 0 : i32
    %scan3A_108 = arith.constant 512 : i32
    %scan3A_109 = arith.addi %scan3A_107, %scan3A_108 : i32
    %scan3A_110 = arith.constant 1 : i32
    %scan3A_111 = scf.for %scan3A_418 = %scan3A_107 to %scan3A_109 step %scan3A_110 iter_args(%scan3A_419 = %cond3A_98) -> (i32)  : i32 {
      %mul3A_420 = arith.constant 16 : i32
      %mul3A_421 = arith.muli %scan3A_418, %mul3A_420 : i32
      %get3A_422 = arith.index_cast %mul3A_421 : i32 to index
      %get3A_423 = tpu.vector_load %arg6[%get3A_422] {strides = array<i32>} : memref<8192xi32, #tpu.memory_space<vmem>>, vector<16xi32>,
      %shift_right_logical3A = arith.constant 21 : i32
      %shift_right_logical3A_424 = vector.broadcast %shift_right_logical3A : i32 to vector<16xi32>
      %shift_right_logical3A_425 = arith.shrui %get3A_423, %shift_right_logical3A_424 : vector<16xi32>
      %eq3A = vector.broadcast %add3A : i32 to vector<16xi32>
      %eq3A_426 = arith.cmpi eq, %shift_right_logical3A_425, %eq3A : vector<16xi32>
      %swap3A_427 = arith.index_cast %scan3A_419 : i32 to index
      %swap3A_428 = tpu.vector_load %arg8[%swap3A_427] masked %eq3A_426 {strides = array<i32>} : memref<16400xi32, #tpu.memory_space<vmem>>, vector<16xi32>, vector<16xi1>
      tpu.vector_store %arg8[%swap3A_427], %get3A_423 masked %eq3A_426 {strides = array<i32>} : memref<16400xi32, #tpu.memory_space<vmem>>, vector<16xi32>, vector<16xi1>
      %all_reduce_population_count3A = tpu.all_reduce %eq3A_426 {dim = 0 : i64, kind = #tpu.reduction_kind<sum>} : vector<16xi1> -> vector<16xi32>
      %slice3A = vector.extract_strided_slice %all_reduce_population_count3A {offsets = [0], sizes = [1], strides = [1]} : vector<16xi32> to vector<1xi32>
      %squeeze3A = vector.extract %slice3A[0] : i32 from vector<1xi32>
      %add3A_429 = arith.addi %scan3A_419, %squeeze3A : i32
      scf.yield %add3A_429 : i32
    }
    %scan3A_112 = arith.constant 512 : i32
    %ge3A_113 = arith.constant 8192 : i32
    %ge3A_114 = arith.cmpi sge, %scan3A_111, %ge3A_113 : i32
    %convert_element_type3A_115 = arith.extui %ge3A_114 : i1 to i32
    %cond3A_116 = arith.constant 0 : i32
    %cond3A_117 = arith.cmpi ne, %convert_element_type3A_115, %cond3A_116 : i32
    %cond3A_118 = scf.if %cond3A_117 -> (i32) {
      %cond3A_418 = arith.constant 0 : i32
      scf.yield %cond3A_418 : i32
    } else {
      scf.yield %scan3A_111 : i32
    }
    %dma_wait3A_119 = arith.constant 0 : i32
    %dma_wait3A_120 = tpu.memref_slice %arg3[%dma_wait3A_119] : memref<131072xi32, #tpu.memory_space<hbm>> -> memref<8192xi32, #tpu.memory_space<hbm>>
    %dma_wait3A_121 = arith.constant 0 : i32
    %dma_wait3A_122 = tpu.memref_slice %arg3[%dma_wait3A_121] : memref<131072xi32, #tpu.memory_space<hbm>> -> memref<8192xi32, #tpu.memory_space<hbm>>
    tpu.wait_dma2 semaphore(%arg21 : memref<!tpu.dma_semaphore, #tpu.memory_space<semaphore_mem>>) src(%dma_wait3A_122 : memref<8192xi32, #tpu.memory_space<hbm>>) dst(%arg7 : memref<8192xi32, #tpu.memory_space<vmem>>)
    %dma_start3A_123 = arith.constant 32768 : i32
    %dma_start3A_124 = tpu.memref_slice %arg3[%dma_start3A_123] : memref<131072xi32, #tpu.memory_space<hbm>> -> memref<8192xi32, #tpu.memory_space<hbm>>
    %dma_start3A_125 = arith.constant 32768 : i32
    %dma_start3A_126 = tpu.memref_slice %arg3[%dma_start3A_125] : memref<131072xi32, #tpu.memory_space<hbm>> -> memref<8192xi32, #tpu.memory_space<hbm>>
    tpu.enqueue_dma source(%dma_start3A_126 : memref<8192xi32, #tpu.memory_space<hbm>>) target(%arg6 : memref<8192xi32, #tpu.memory_space<vmem>>) target_semaphore(%arg20 : memref<!tpu.dma_semaphore, #tpu.memory_space<semaphore_mem>>)
    %scan3A_127 = arith.constant 0 : i32
    %scan3A_128 = arith.constant 512 : i32
    %scan3A_129 = arith.addi %scan3A_127, %scan3A_128 : i32
    %scan3A_130 = arith.constant 1 : i32
    %scan3A_131 = scf.for %scan3A_418 = %scan3A_127 to %scan3A_129 step %scan3A_130 iter_args(%scan3A_419 = %cond3A_118) -> (i32)  : i32 {
      %mul3A_420 = arith.constant 16 : i32
      %mul3A_421 = arith.muli %scan3A_418, %mul3A_420 : i32
      %get3A_422 = arith.index_cast %mul3A_421 : i32 to index
      %get3A_423 = tpu.vector_load %arg7[%get3A_422] {strides = array<i32>} : memref<8192xi32, #tpu.memory_space<vmem>>, vector<16xi32>,
      %shift_right_logical3A = arith.constant 21 : i32
      %shift_right_logical3A_424 = vector.broadcast %shift_right_logical3A : i32 to vector<16xi32>
      %shift_right_logical3A_425 = arith.shrui %get3A_423, %shift_right_logical3A_424 : vector<16xi32>
      %eq3A = vector.broadcast %add3A : i32 to vector<16xi32>
      %eq3A_426 = arith.cmpi eq, %shift_right_logical3A_425, %eq3A : vector<16xi32>
      %swap3A_427 = arith.index_cast %scan3A_419 : i32 to index
      %swap3A_428 = tpu.vector_load %arg8[%swap3A_427] masked %eq3A_426 {strides = array<i32>} : memref<16400xi32, #tpu.memory_space<vmem>>, vector<16xi32>, vector<16xi1>
      tpu.vector_store %arg8[%swap3A_427], %get3A_423 masked %eq3A_426 {strides = array<i32>} : memref<16400xi32, #tpu.memory_space<vmem>>, vector<16xi32>, vector<16xi1>
      %all_reduce_population_count3A = tpu.all_reduce %eq3A_426 {dim = 0 : i64, kind = #tpu.reduction_kind<sum>} : vector<16xi1> -> vector<16xi32>
      %slice3A = vector.extract_strided_slice %all_reduce_population_count3A {offsets = [0], sizes = [1], strides = [1]} : vector<16xi32> to vector<1xi32>
      %squeeze3A = vector.extract %slice3A[0] : i32 from vector<1xi32>
      %add3A_429 = arith.addi %scan3A_419, %squeeze3A : i32
      scf.yield %add3A_429 : i32
    }
    %scan3A_132 = arith.constant 512 : i32
    %ge3A_133 = arith.constant 8192 : i32
    %ge3A_134 = arith.cmpi sge, %scan3A_131, %ge3A_133 : i32
    %convert_element_type3A_135 = arith.extui %ge3A_134 : i1 to i32
    %cond3A_136 = arith.constant 0 : i32
    %cond3A_137 = arith.cmpi ne, %convert_element_type3A_135, %cond3A_136 : i32
    %cond3A_138 = scf.if %cond3A_137 -> (i32) {
      %cond3A_418 = arith.constant 0 : i32
      scf.yield %cond3A_418 : i32
    } else {
      scf.yield %scan3A_131 : i32
    }
    %dma_wait3A_139 = arith.constant 0 : i32
    %dma_wait3A_140 = tpu.memref_slice %arg3[%dma_wait3A_139] : memref<131072xi32, #tpu.memory_space<hbm>> -> memref<8192xi32, #tpu.memory_space<hbm>>
    %dma_wait3A_141 = arith.constant 0 : i32
    %dma_wait3A_142 = tpu.memref_slice %arg3[%dma_wait3A_141] : memref<131072xi32, #tpu.memory_space<hbm>> -> memref<8192xi32, #tpu.memory_space<hbm>>
    tpu.wait_dma2 semaphore(%arg20 : memref<!tpu.dma_semaphore, #tpu.memory_space<semaphore_mem>>) src(%dma_wait3A_142 : memref<8192xi32, #tpu.memory_space<hbm>>) dst(%arg6 : memref<8192xi32, #tpu.memory_space<vmem>>)
    %dma_start3A_143 = arith.constant 40960 : i32
    %dma_start3A_144 = tpu.memref_slice %arg3[%dma_start3A_143] : memref<131072xi32, #tpu.memory_space<hbm>> -> memref<8192xi32, #tpu.memory_space<hbm>>
    %dma_start3A_145 = arith.constant 40960 : i32
    %dma_start3A_146 = tpu.memref_slice %arg3[%dma_start3A_145] : memref<131072xi32, #tpu.memory_space<hbm>> -> memref<8192xi32, #tpu.memory_space<hbm>>
    tpu.enqueue_dma source(%dma_start3A_146 : memref<8192xi32, #tpu.memory_space<hbm>>) target(%arg7 : memref<8192xi32, #tpu.memory_space<vmem>>) target_semaphore(%arg21 : memref<!tpu.dma_semaphore, #tpu.memory_space<semaphore_mem>>)
    %scan3A_147 = arith.constant 0 : i32
    %scan3A_148 = arith.constant 512 : i32
    %scan3A_149 = arith.addi %scan3A_147, %scan3A_148 : i32
    %scan3A_150 = arith.constant 1 : i32
    %scan3A_151 = scf.for %scan3A_418 = %scan3A_147 to %scan3A_149 step %scan3A_150 iter_args(%scan3A_419 = %cond3A_138) -> (i32)  : i32 {
      %mul3A_420 = arith.constant 16 : i32
      %mul3A_421 = arith.muli %scan3A_418, %mul3A_420 : i32
      %get3A_422 = arith.index_cast %mul3A_421 : i32 to index
      %get3A_423 = tpu.vector_load %arg6[%get3A_422] {strides = array<i32>} : memref<8192xi32, #tpu.memory_space<vmem>>, vector<16xi32>,
      %shift_right_logical3A = arith.constant 21 : i32
      %shift_right_logical3A_424 = vector.broadcast %shift_right_logical3A : i32 to vector<16xi32>
      %shift_right_logical3A_425 = arith.shrui %get3A_423, %shift_right_logical3A_424 : vector<16xi32>
      %eq3A = vector.broadcast %add3A : i32 to vector<16xi32>
      %eq3A_426 = arith.cmpi eq, %shift_right_logical3A_425, %eq3A : vector<16xi32>
      %swap3A_427 = arith.index_cast %scan3A_419 : i32 to index
      %swap3A_428 = tpu.vector_load %arg8[%swap3A_427] masked %eq3A_426 {strides = array<i32>} : memref<16400xi32, #tpu.memory_space<vmem>>, vector<16xi32>, vector<16xi1>
      tpu.vector_store %arg8[%swap3A_427], %get3A_423 masked %eq3A_426 {strides = array<i32>} : memref<16400xi32, #tpu.memory_space<vmem>>, vector<16xi32>, vector<16xi1>
      %all_reduce_population_count3A = tpu.all_reduce %eq3A_426 {dim = 0 : i64, kind = #tpu.reduction_kind<sum>} : vector<16xi1> -> vector<16xi32>
      %slice3A = vector.extract_strided_slice %all_reduce_population_count3A {offsets = [0], sizes = [1], strides = [1]} : vector<16xi32> to vector<1xi32>
      %squeeze3A = vector.extract %slice3A[0] : i32 from vector<1xi32>
      %add3A_429 = arith.addi %scan3A_419, %squeeze3A : i32
      scf.yield %add3A_429 : i32
    }
    %scan3A_152 = arith.constant 512 : i32
    %ge3A_153 = arith.constant 8192 : i32
    %ge3A_154 = arith.cmpi sge, %scan3A_151, %ge3A_153 : i32
    %convert_element_type3A_155 = arith.extui %ge3A_154 : i1 to i32
    %cond3A_156 = arith.constant 0 : i32
    %cond3A_157 = arith.cmpi ne, %convert_element_type3A_155, %cond3A_156 : i32
    %cond3A_158 = scf.if %cond3A_157 -> (i32) {
      %cond3A_418 = arith.constant 0 : i32
      scf.yield %cond3A_418 : i32
    } else {
      scf.yield %scan3A_151 : i32
    }
    %dma_wait3A_159 = arith.constant 0 : i32
    %dma_wait3A_160 = tpu.memref_slice %arg3[%dma_wait3A_159] : memref<131072xi32, #tpu.memory_space<hbm>> -> memref<8192xi32, #tpu.memory_space<hbm>>
    %dma_wait3A_161 = arith.constant 0 : i32
    %dma_wait3A_162 = tpu.memref_slice %arg3[%dma_wait3A_161] : memref<131072xi32, #tpu.memory_space<hbm>> -> memref<8192xi32, #tpu.memory_space<hbm>>
    tpu.wait_dma2 semaphore(%arg21 : memref<!tpu.dma_semaphore, #tpu.memory_space<semaphore_mem>>) src(%dma_wait3A_162 : memref<8192xi32, #tpu.memory_space<hbm>>) dst(%arg7 : memref<8192xi32, #tpu.memory_space<vmem>>)
    %dma_start3A_163 = arith.constant 49152 : i32
    %dma_start3A_164 = tpu.memref_slice %arg3[%dma_start3A_163] : memref<131072xi32, #tpu.memory_space<hbm>> -> memref<8192xi32, #tpu.memory_space<hbm>>
    %dma_start3A_165 = arith.constant 49152 : i32
    %dma_start3A_166 = tpu.memref_slice %arg3[%dma_start3A_165] : memref<131072xi32, #tpu.memory_space<hbm>> -> memref<8192xi32, #tpu.memory_space<hbm>>
    tpu.enqueue_dma source(%dma_start3A_166 : memref<8192xi32, #tpu.memory_space<hbm>>) target(%arg6 : memref<8192xi32, #tpu.memory_space<vmem>>) target_semaphore(%arg20 : memref<!tpu.dma_semaphore, #tpu.memory_space<semaphore_mem>>)
    %scan3A_167 = arith.constant 0 : i32
    %scan3A_168 = arith.constant 512 : i32
    %scan3A_169 = arith.addi %scan3A_167, %scan3A_168 : i32
    %scan3A_170 = arith.constant 1 : i32
    %scan3A_171 = scf.for %scan3A_418 = %scan3A_167 to %scan3A_169 step %scan3A_170 iter_args(%scan3A_419 = %cond3A_158) -> (i32)  : i32 {
      %mul3A_420 = arith.constant 16 : i32
      %mul3A_421 = arith.muli %scan3A_418, %mul3A_420 : i32
      %get3A_422 = arith.index_cast %mul3A_421 : i32 to index
      %get3A_423 = tpu.vector_load %arg7[%get3A_422] {strides = array<i32>} : memref<8192xi32, #tpu.memory_space<vmem>>, vector<16xi32>,
      %shift_right_logical3A = arith.constant 21 : i32
      %shift_right_logical3A_424 = vector.broadcast %shift_right_logical3A : i32 to vector<16xi32>
      %shift_right_logical3A_425 = arith.shrui %get3A_423, %shift_right_logical3A_424 : vector<16xi32>
      %eq3A = vector.broadcast %add3A : i32 to vector<16xi32>
      %eq3A_426 = arith.cmpi eq, %shift_right_logical3A_425, %eq3A : vector<16xi32>
      %swap3A_427 = arith.index_cast %scan3A_419 : i32 to index
      %swap3A_428 = tpu.vector_load %arg8[%swap3A_427] masked %eq3A_426 {strides = array<i32>} : memref<16400xi32, #tpu.memory_space<vmem>>, vector<16xi32>, vector<16xi1>
      tpu.vector_store %arg8[%swap3A_427], %get3A_423 masked %eq3A_426 {strides = array<i32>} : memref<16400xi32, #tpu.memory_space<vmem>>, vector<16xi32>, vector<16xi1>
      %all_reduce_population_count3A = tpu.all_reduce %eq3A_426 {dim = 0 : i64, kind = #tpu.reduction_kind<sum>} : vector<16xi1> -> vector<16xi32>
      %slice3A = vector.extract_strided_slice %all_reduce_population_count3A {offsets = [0], sizes = [1], strides = [1]} : vector<16xi32> to vector<1xi32>
      %squeeze3A = vector.extract %slice3A[0] : i32 from vector<1xi32>
      %add3A_429 = arith.addi %scan3A_419, %squeeze3A : i32
      scf.yield %add3A_429 : i32
    }
    %scan3A_172 = arith.constant 512 : i32
    %ge3A_173 = arith.constant 8192 : i32
    %ge3A_174 = arith.cmpi sge, %scan3A_171, %ge3A_173 : i32
    %convert_element_type3A_175 = arith.extui %ge3A_174 : i1 to i32
    %cond3A_176 = arith.constant 0 : i32
    %cond3A_177 = arith.cmpi ne, %convert_element_type3A_175, %cond3A_176 : i32
    %cond3A_178 = scf.if %cond3A_177 -> (i32) {
      %cond3A_418 = arith.constant 0 : i32
      scf.yield %cond3A_418 : i32
    } else {
      scf.yield %scan3A_171 : i32
    }
    %dma_wait3A_179 = arith.constant 0 : i32
    %dma_wait3A_180 = tpu.memref_slice %arg3[%dma_wait3A_179] : memref<131072xi32, #tpu.memory_space<hbm>> -> memref<8192xi32, #tpu.memory_space<hbm>>
    %dma_wait3A_181 = arith.constant 0 : i32
    %dma_wait3A_182 = tpu.memref_slice %arg3[%dma_wait3A_181] : memref<131072xi32, #tpu.memory_space<hbm>> -> memref<8192xi32, #tpu.memory_space<hbm>>
    tpu.wait_dma2 semaphore(%arg20 : memref<!tpu.dma_semaphore, #tpu.memory_space<semaphore_mem>>) src(%dma_wait3A_182 : memref<8192xi32, #tpu.memory_space<hbm>>) dst(%arg6 : memref<8192xi32, #tpu.memory_space<vmem>>)
    %dma_start3A_183 = arith.constant 57344 : i32
    %dma_start3A_184 = tpu.memref_slice %arg3[%dma_start3A_183] : memref<131072xi32, #tpu.memory_space<hbm>> -> memref<8192xi32, #tpu.memory_space<hbm>>
    %dma_start3A_185 = arith.constant 57344 : i32
    %dma_start3A_186 = tpu.memref_slice %arg3[%dma_start3A_185] : memref<131072xi32, #tpu.memory_space<hbm>> -> memref<8192xi32, #tpu.memory_space<hbm>>
    tpu.enqueue_dma source(%dma_start3A_186 : memref<8192xi32, #tpu.memory_space<hbm>>) target(%arg7 : memref<8192xi32, #tpu.memory_space<vmem>>) target_semaphore(%arg21 : memref<!tpu.dma_semaphore, #tpu.memory_space<semaphore_mem>>)
    %scan3A_187 = arith.constant 0 : i32
    %scan3A_188 = arith.constant 512 : i32
    %scan3A_189 = arith.addi %scan3A_187, %scan3A_188 : i32
    %scan3A_190 = arith.constant 1 : i32
    %scan3A_191 = scf.for %scan3A_418 = %scan3A_187 to %scan3A_189 step %scan3A_190 iter_args(%scan3A_419 = %cond3A_178) -> (i32)  : i32 {
      %mul3A_420 = arith.constant 16 : i32
      %mul3A_421 = arith.muli %scan3A_418, %mul3A_420 : i32
      %get3A_422 = arith.index_cast %mul3A_421 : i32 to index
      %get3A_423 = tpu.vector_load %arg6[%get3A_422] {strides = array<i32>} : memref<8192xi32, #tpu.memory_space<vmem>>, vector<16xi32>,
      %shift_right_logical3A = arith.constant 21 : i32
      %shift_right_logical3A_424 = vector.broadcast %shift_right_logical3A : i32 to vector<16xi32>
      %shift_right_logical3A_425 = arith.shrui %get3A_423, %shift_right_logical3A_424 : vector<16xi32>
      %eq3A = vector.broadcast %add3A : i32 to vector<16xi32>
      %eq3A_426 = arith.cmpi eq, %shift_right_logical3A_425, %eq3A : vector<16xi32>
      %swap3A_427 = arith.index_cast %scan3A_419 : i32 to index
      %swap3A_428 = tpu.vector_load %arg8[%swap3A_427] masked %eq3A_426 {strides = array<i32>} : memref<16400xi32, #tpu.memory_space<vmem>>, vector<16xi32>, vector<16xi1>
      tpu.vector_store %arg8[%swap3A_427], %get3A_423 masked %eq3A_426 {strides = array<i32>} : memref<16400xi32, #tpu.memory_space<vmem>>, vector<16xi32>, vector<16xi1>
      %all_reduce_population_count3A = tpu.all_reduce %eq3A_426 {dim = 0 : i64, kind = #tpu.reduction_kind<sum>} : vector<16xi1> -> vector<16xi32>
      %slice3A = vector.extract_strided_slice %all_reduce_population_count3A {offsets = [0], sizes = [1], strides = [1]} : vector<16xi32> to vector<1xi32>
      %squeeze3A = vector.extract %slice3A[0] : i32 from vector<1xi32>
      %add3A_429 = arith.addi %scan3A_419, %squeeze3A : i32
      scf.yield %add3A_429 : i32
    }
    %scan3A_192 = arith.constant 512 : i32
    %ge3A_193 = arith.constant 8192 : i32
    %ge3A_194 = arith.cmpi sge, %scan3A_191, %ge3A_193 : i32
    %convert_element_type3A_195 = arith.extui %ge3A_194 : i1 to i32
    %cond3A_196 = arith.constant 0 : i32
    %cond3A_197 = arith.cmpi ne, %convert_element_type3A_195, %cond3A_196 : i32
    %cond3A_198 = scf.if %cond3A_197 -> (i32) {
      %cond3A_418 = arith.constant 0 : i32
      scf.yield %cond3A_418 : i32
    } else {
      scf.yield %scan3A_191 : i32
    }
    %dma_wait3A_199 = arith.constant 0 : i32
    %dma_wait3A_200 = tpu.memref_slice %arg3[%dma_wait3A_199] : memref<131072xi32, #tpu.memory_space<hbm>> -> memref<8192xi32, #tpu.memory_space<hbm>>
    %dma_wait3A_201 = arith.constant 0 : i32
    %dma_wait3A_202 = tpu.memref_slice %arg3[%dma_wait3A_201] : memref<131072xi32, #tpu.memory_space<hbm>> -> memref<8192xi32, #tpu.memory_space<hbm>>
    tpu.wait_dma2 semaphore(%arg21 : memref<!tpu.dma_semaphore, #tpu.memory_space<semaphore_mem>>) src(%dma_wait3A_202 : memref<8192xi32, #tpu.memory_space<hbm>>) dst(%arg7 : memref<8192xi32, #tpu.memory_space<vmem>>)
    %dma_start3A_203 = arith.constant 65536 : i32
    %dma_start3A_204 = tpu.memref_slice %arg3[%dma_start3A_203] : memref<131072xi32, #tpu.memory_space<hbm>> -> memref<8192xi32, #tpu.memory_space<hbm>>
    %dma_start3A_205 = arith.constant 65536 : i32
    %dma_start3A_206 = tpu.memref_slice %arg3[%dma_start3A_205] : memref<131072xi32, #tpu.memory_space<hbm>> -> memref<8192xi32, #tpu.memory_space<hbm>>
    tpu.enqueue_dma source(%dma_start3A_206 : memref<8192xi32, #tpu.memory_space<hbm>>) target(%arg6 : memref<8192xi32, #tpu.memory_space<vmem>>) target_semaphore(%arg20 : memref<!tpu.dma_semaphore, #tpu.memory_space<semaphore_mem>>)
    %scan3A_207 = arith.constant 0 : i32
    %scan3A_208 = arith.constant 512 : i32
    %scan3A_209 = arith.addi %scan3A_207, %scan3A_208 : i32
    %scan3A_210 = arith.constant 1 : i32
    %scan3A_211 = scf.for %scan3A_418 = %scan3A_207 to %scan3A_209 step %scan3A_210 iter_args(%scan3A_419 = %cond3A_198) -> (i32)  : i32 {
      %mul3A_420 = arith.constant 16 : i32
      %mul3A_421 = arith.muli %scan3A_418, %mul3A_420 : i32
      %get3A_422 = arith.index_cast %mul3A_421 : i32 to index
      %get3A_423 = tpu.vector_load %arg7[%get3A_422] {strides = array<i32>} : memref<8192xi32, #tpu.memory_space<vmem>>, vector<16xi32>,
      %shift_right_logical3A = arith.constant 21 : i32
      %shift_right_logical3A_424 = vector.broadcast %shift_right_logical3A : i32 to vector<16xi32>
      %shift_right_logical3A_425 = arith.shrui %get3A_423, %shift_right_logical3A_424 : vector<16xi32>
      %eq3A = vector.broadcast %add3A : i32 to vector<16xi32>
      %eq3A_426 = arith.cmpi eq, %shift_right_logical3A_425, %eq3A : vector<16xi32>
      %swap3A_427 = arith.index_cast %scan3A_419 : i32 to index
      %swap3A_428 = tpu.vector_load %arg8[%swap3A_427] masked %eq3A_426 {strides = array<i32>} : memref<16400xi32, #tpu.memory_space<vmem>>, vector<16xi32>, vector<16xi1>
      tpu.vector_store %arg8[%swap3A_427], %get3A_423 masked %eq3A_426 {strides = array<i32>} : memref<16400xi32, #tpu.memory_space<vmem>>, vector<16xi32>, vector<16xi1>
      %all_reduce_population_count3A = tpu.all_reduce %eq3A_426 {dim = 0 : i64, kind = #tpu.reduction_kind<sum>} : vector<16xi1> -> vector<16xi32>
      %slice3A = vector.extract_strided_slice %all_reduce_population_count3A {offsets = [0], sizes = [1], strides = [1]} : vector<16xi32> to vector<1xi32>
      %squeeze3A = vector.extract %slice3A[0] : i32 from vector<1xi32>
      %add3A_429 = arith.addi %scan3A_419, %squeeze3A : i32
      scf.yield %add3A_429 : i32
    }
    %scan3A_212 = arith.constant 512 : i32
    %ge3A_213 = arith.constant 8192 : i32
    %ge3A_214 = arith.cmpi sge, %scan3A_211, %ge3A_213 : i32
    %convert_element_type3A_215 = arith.extui %ge3A_214 : i1 to i32
    %cond3A_216 = arith.constant 0 : i32
    %cond3A_217 = arith.cmpi ne, %convert_element_type3A_215, %cond3A_216 : i32
    %cond3A_218 = scf.if %cond3A_217 -> (i32) {
      %cond3A_418 = arith.constant 0 : i32
      scf.yield %cond3A_418 : i32
    } else {
      scf.yield %scan3A_211 : i32
    }
    %dma_wait3A_219 = arith.constant 0 : i32
    %dma_wait3A_220 = tpu.memref_slice %arg3[%dma_wait3A_219] : memref<131072xi32, #tpu.memory_space<hbm>> -> memref<8192xi32, #tpu.memory_space<hbm>>
    %dma_wait3A_221 = arith.constant 0 : i32
    %dma_wait3A_222 = tpu.memref_slice %arg3[%dma_wait3A_221] : memref<131072xi32, #tpu.memory_space<hbm>> -> memref<8192xi32, #tpu.memory_space<hbm>>
    tpu.wait_dma2 semaphore(%arg20 : memref<!tpu.dma_semaphore, #tpu.memory_space<semaphore_mem>>) src(%dma_wait3A_222 : memref<8192xi32, #tpu.memory_space<hbm>>) dst(%arg6 : memref<8192xi32, #tpu.memory_space<vmem>>)
    %dma_start3A_223 = arith.constant 73728 : i32
    %dma_start3A_224 = tpu.memref_slice %arg3[%dma_start3A_223] : memref<131072xi32, #tpu.memory_space<hbm>> -> memref<8192xi32, #tpu.memory_space<hbm>>
    %dma_start3A_225 = arith.constant 73728 : i32
    %dma_start3A_226 = tpu.memref_slice %arg3[%dma_start3A_225] : memref<131072xi32, #tpu.memory_space<hbm>> -> memref<8192xi32, #tpu.memory_space<hbm>>
    tpu.enqueue_dma source(%dma_start3A_226 : memref<8192xi32, #tpu.memory_space<hbm>>) target(%arg7 : memref<8192xi32, #tpu.memory_space<vmem>>) target_semaphore(%arg21 : memref<!tpu.dma_semaphore, #tpu.memory_space<semaphore_mem>>)
    %scan3A_227 = arith.constant 0 : i32
    %scan3A_228 = arith.constant 512 : i32
    %scan3A_229 = arith.addi %scan3A_227, %scan3A_228 : i32
    %scan3A_230 = arith.constant 1 : i32
    %scan3A_231 = scf.for %scan3A_418 = %scan3A_227 to %scan3A_229 step %scan3A_230 iter_args(%scan3A_419 = %cond3A_218) -> (i32)  : i32 {
      %mul3A_420 = arith.constant 16 : i32
      %mul3A_421 = arith.muli %scan3A_418, %mul3A_420 : i32
      %get3A_422 = arith.index_cast %mul3A_421 : i32 to index
      %get3A_423 = tpu.vector_load %arg6[%get3A_422] {strides = array<i32>} : memref<8192xi32, #tpu.memory_space<vmem>>, vector<16xi32>,
      %shift_right_logical3A = arith.constant 21 : i32
      %shift_right_logical3A_424 = vector.broadcast %shift_right_logical3A : i32 to vector<16xi32>
      %shift_right_logical3A_425 = arith.shrui %get3A_423, %shift_right_logical3A_424 : vector<16xi32>
      %eq3A = vector.broadcast %add3A : i32 to vector<16xi32>
      %eq3A_426 = arith.cmpi eq, %shift_right_logical3A_425, %eq3A : vector<16xi32>
      %swap3A_427 = arith.index_cast %scan3A_419 : i32 to index
      %swap3A_428 = tpu.vector_load %arg8[%swap3A_427] masked %eq3A_426 {strides = array<i32>} : memref<16400xi32, #tpu.memory_space<vmem>>, vector<16xi32>, vector<16xi1>
      tpu.vector_store %arg8[%swap3A_427], %get3A_423 masked %eq3A_426 {strides = array<i32>} : memref<16400xi32, #tpu.memory_space<vmem>>, vector<16xi32>, vector<16xi1>
      %all_reduce_population_count3A = tpu.all_reduce %eq3A_426 {dim = 0 : i64, kind = #tpu.reduction_kind<sum>} : vector<16xi1> -> vector<16xi32>
      %slice3A = vector.extract_strided_slice %all_reduce_population_count3A {offsets = [0], sizes = [1], strides = [1]} : vector<16xi32> to vector<1xi32>
      %squeeze3A = vector.extract %slice3A[0] : i32 from vector<1xi32>
      %add3A_429 = arith.addi %scan3A_419, %squeeze3A : i32
      scf.yield %add3A_429 : i32
    }
    %scan3A_232 = arith.constant 512 : i32
    %ge3A_233 = arith.constant 8192 : i32
    %ge3A_234 = arith.cmpi sge, %scan3A_231, %ge3A_233 : i32
    %convert_element_type3A_235 = arith.extui %ge3A_234 : i1 to i32
    %cond3A_236 = arith.constant 0 : i32
    %cond3A_237 = arith.cmpi ne, %convert_element_type3A_235, %cond3A_236 : i32
    %cond3A_238 = scf.if %cond3A_237 -> (i32) {
      %cond3A_418 = arith.constant 0 : i32
      scf.yield %cond3A_418 : i32
    } else {
      scf.yield %scan3A_231 : i32
    }
    %dma_wait3A_239 = arith.constant 0 : i32
    %dma_wait3A_240 = tpu.memref_slice %arg3[%dma_wait3A_239] : memref<131072xi32, #tpu.memory_space<hbm>> -> memref<8192xi32, #tpu.memory_space<hbm>>
    %dma_wait3A_241 = arith.constant 0 : i32
    %dma_wait3A_242 = tpu.memref_slice %arg3[%dma_wait3A_241] : memref<131072xi32, #tpu.memory_space<hbm>> -> memref<8192xi32, #tpu.memory_space<hbm>>
    tpu.wait_dma2 semaphore(%arg21 : memref<!tpu.dma_semaphore, #tpu.memory_space<semaphore_mem>>) src(%dma_wait3A_242 : memref<8192xi32, #tpu.memory_space<hbm>>) dst(%arg7 : memref<8192xi32, #tpu.memory_space<vmem>>)
    %dma_start3A_243 = arith.constant 81920 : i32
    %dma_start3A_244 = tpu.memref_slice %arg3[%dma_start3A_243] : memref<131072xi32, #tpu.memory_space<hbm>> -> memref<8192xi32, #tpu.memory_space<hbm>>
    %dma_start3A_245 = arith.constant 81920 : i32
    %dma_start3A_246 = tpu.memref_slice %arg3[%dma_start3A_245] : memref<131072xi32, #tpu.memory_space<hbm>> -> memref<8192xi32, #tpu.memory_space<hbm>>
    tpu.enqueue_dma source(%dma_start3A_246 : memref<8192xi32, #tpu.memory_space<hbm>>) target(%arg6 : memref<8192xi32, #tpu.memory_space<vmem>>) target_semaphore(%arg20 : memref<!tpu.dma_semaphore, #tpu.memory_space<semaphore_mem>>)
    %scan3A_247 = arith.constant 0 : i32
    %scan3A_248 = arith.constant 512 : i32
    %scan3A_249 = arith.addi %scan3A_247, %scan3A_248 : i32
    %scan3A_250 = arith.constant 1 : i32
    %scan3A_251 = scf.for %scan3A_418 = %scan3A_247 to %scan3A_249 step %scan3A_250 iter_args(%scan3A_419 = %cond3A_238) -> (i32)  : i32 {
      %mul3A_420 = arith.constant 16 : i32
      %mul3A_421 = arith.muli %scan3A_418, %mul3A_420 : i32
      %get3A_422 = arith.index_cast %mul3A_421 : i32 to index
      %get3A_423 = tpu.vector_load %arg7[%get3A_422] {strides = array<i32>} : memref<8192xi32, #tpu.memory_space<vmem>>, vector<16xi32>,
      %shift_right_logical3A = arith.constant 21 : i32
      %shift_right_logical3A_424 = vector.broadcast %shift_right_logical3A : i32 to vector<16xi32>
      %shift_right_logical3A_425 = arith.shrui %get3A_423, %shift_right_logical3A_424 : vector<16xi32>
      %eq3A = vector.broadcast %add3A : i32 to vector<16xi32>
      %eq3A_426 = arith.cmpi eq, %shift_right_logical3A_425, %eq3A : vector<16xi32>
      %swap3A_427 = arith.index_cast %scan3A_419 : i32 to index
      %swap3A_428 = tpu.vector_load %arg8[%swap3A_427] masked %eq3A_426 {strides = array<i32>} : memref<16400xi32, #tpu.memory_space<vmem>>, vector<16xi32>, vector<16xi1>
      tpu.vector_store %arg8[%swap3A_427], %get3A_423 masked %eq3A_426 {strides = array<i32>} : memref<16400xi32, #tpu.memory_space<vmem>>, vector<16xi32>, vector<16xi1>
      %all_reduce_population_count3A = tpu.all_reduce %eq3A_426 {dim = 0 : i64, kind = #tpu.reduction_kind<sum>} : vector<16xi1> -> vector<16xi32>
      %slice3A = vector.extract_strided_slice %all_reduce_population_count3A {offsets = [0], sizes = [1], strides = [1]} : vector<16xi32> to vector<1xi32>
      %squeeze3A = vector.extract %slice3A[0] : i32 from vector<1xi32>
      %add3A_429 = arith.addi %scan3A_419, %squeeze3A : i32
      scf.yield %add3A_429 : i32
    }
    %scan3A_252 = arith.constant 512 : i32
    %ge3A_253 = arith.constant 8192 : i32
    %ge3A_254 = arith.cmpi sge, %scan3A_251, %ge3A_253 : i32
    %convert_element_type3A_255 = arith.extui %ge3A_254 : i1 to i32
    %cond3A_256 = arith.constant 0 : i32
    %cond3A_257 = arith.cmpi ne, %convert_element_type3A_255, %cond3A_256 : i32
    %cond3A_258 = scf.if %cond3A_257 -> (i32) {
      %cond3A_418 = arith.constant 0 : i32
      scf.yield %cond3A_418 : i32
    } else {
      scf.yield %scan3A_251 : i32
    }
    %dma_wait3A_259 = arith.constant 0 : i32
    %dma_wait3A_260 = tpu.memref_slice %arg3[%dma_wait3A_259] : memref<131072xi32, #tpu.memory_space<hbm>> -> memref<8192xi32, #tpu.memory_space<hbm>>
    %dma_wait3A_261 = arith.constant 0 : i32
    %dma_wait3A_262 = tpu.memref_slice %arg3[%dma_wait3A_261] : memref<131072xi32, #tpu.memory_space<hbm>> -> memref<8192xi32, #tpu.memory_space<hbm>>
    tpu.wait_dma2 semaphore(%arg20 : memref<!tpu.dma_semaphore, #tpu.memory_space<semaphore_mem>>) src(%dma_wait3A_262 : memref<8192xi32, #tpu.memory_space<hbm>>) dst(%arg6 : memref<8192xi32, #tpu.memory_space<vmem>>)
    %dma_start3A_263 = arith.constant 90112 : i32
    %dma_start3A_264 = tpu.memref_slice %arg3[%dma_start3A_263] : memref<131072xi32, #tpu.memory_space<hbm>> -> memref<8192xi32, #tpu.memory_space<hbm>>
    %dma_start3A_265 = arith.constant 90112 : i32
    %dma_start3A_266 = tpu.memref_slice %arg3[%dma_start3A_265] : memref<131072xi32, #tpu.memory_space<hbm>> -> memref<8192xi32, #tpu.memory_space<hbm>>
    tpu.enqueue_dma source(%dma_start3A_266 : memref<8192xi32, #tpu.memory_space<hbm>>) target(%arg7 : memref<8192xi32, #tpu.memory_space<vmem>>) target_semaphore(%arg21 : memref<!tpu.dma_semaphore, #tpu.memory_space<semaphore_mem>>)
    %scan3A_267 = arith.constant 0 : i32
    %scan3A_268 = arith.constant 512 : i32
    %scan3A_269 = arith.addi %scan3A_267, %scan3A_268 : i32
    %scan3A_270 = arith.constant 1 : i32
    %scan3A_271 = scf.for %scan3A_418 = %scan3A_267 to %scan3A_269 step %scan3A_270 iter_args(%scan3A_419 = %cond3A_258) -> (i32)  : i32 {
      %mul3A_420 = arith.constant 16 : i32
      %mul3A_421 = arith.muli %scan3A_418, %mul3A_420 : i32
      %get3A_422 = arith.index_cast %mul3A_421 : i32 to index
      %get3A_423 = tpu.vector_load %arg6[%get3A_422] {strides = array<i32>} : memref<8192xi32, #tpu.memory_space<vmem>>, vector<16xi32>,
      %shift_right_logical3A = arith.constant 21 : i32
      %shift_right_logical3A_424 = vector.broadcast %shift_right_logical3A : i32 to vector<16xi32>
      %shift_right_logical3A_425 = arith.shrui %get3A_423, %shift_right_logical3A_424 : vector<16xi32>
      %eq3A = vector.broadcast %add3A : i32 to vector<16xi32>
      %eq3A_426 = arith.cmpi eq, %shift_right_logical3A_425, %eq3A : vector<16xi32>
      %swap3A_427 = arith.index_cast %scan3A_419 : i32 to index
      %swap3A_428 = tpu.vector_load %arg8[%swap3A_427] masked %eq3A_426 {strides = array<i32>} : memref<16400xi32, #tpu.memory_space<vmem>>, vector<16xi32>, vector<16xi1>
      tpu.vector_store %arg8[%swap3A_427], %get3A_423 masked %eq3A_426 {strides = array<i32>} : memref<16400xi32, #tpu.memory_space<vmem>>, vector<16xi32>, vector<16xi1>
      %all_reduce_population_count3A = tpu.all_reduce %eq3A_426 {dim = 0 : i64, kind = #tpu.reduction_kind<sum>} : vector<16xi1> -> vector<16xi32>
      %slice3A = vector.extract_strided_slice %all_reduce_population_count3A {offsets = [0], sizes = [1], strides = [1]} : vector<16xi32> to vector<1xi32>
      %squeeze3A = vector.extract %slice3A[0] : i32 from vector<1xi32>
      %add3A_429 = arith.addi %scan3A_419, %squeeze3A : i32
      scf.yield %add3A_429 : i32
    }
    %scan3A_272 = arith.constant 512 : i32
    %ge3A_273 = arith.constant 8192 : i32
    %ge3A_274 = arith.cmpi sge, %scan3A_271, %ge3A_273 : i32
    %convert_element_type3A_275 = arith.extui %ge3A_274 : i1 to i32
    %cond3A_276 = arith.constant 0 : i32
    %cond3A_277 = arith.cmpi ne, %convert_element_type3A_275, %cond3A_276 : i32
    %cond3A_278 = scf.if %cond3A_277 -> (i32) {
      %cond3A_418 = arith.constant 0 : i32
      scf.yield %cond3A_418 : i32
    } else {
      scf.yield %scan3A_271 : i32
    }
    %dma_wait3A_279 = arith.constant 0 : i32
    %dma_wait3A_280 = tpu.memref_slice %arg3[%dma_wait3A_279] : memref<131072xi32, #tpu.memory_space<hbm>> -> memref<8192xi32, #tpu.memory_space<hbm>>
    %dma_wait3A_281 = arith.constant 0 : i32
    %dma_wait3A_282 = tpu.memref_slice %arg3[%dma_wait3A_281] : memref<131072xi32, #tpu.memory_space<hbm>> -> memref<8192xi32, #tpu.memory_space<hbm>>
    tpu.wait_dma2 semaphore(%arg21 : memref<!tpu.dma_semaphore, #tpu.memory_space<semaphore_mem>>) src(%dma_wait3A_282 : memref<8192xi32, #tpu.memory_space<hbm>>) dst(%arg7 : memref<8192xi32, #tpu.memory_space<vmem>>)
    %dma_start3A_283 = arith.constant 98304 : i32
    %dma_start3A_284 = tpu.memref_slice %arg3[%dma_start3A_283] : memref<131072xi32, #tpu.memory_space<hbm>> -> memref<8192xi32, #tpu.memory_space<hbm>>
    %dma_start3A_285 = arith.constant 98304 : i32
    %dma_start3A_286 = tpu.memref_slice %arg3[%dma_start3A_285] : memref<131072xi32, #tpu.memory_space<hbm>> -> memref<8192xi32, #tpu.memory_space<hbm>>
    tpu.enqueue_dma source(%dma_start3A_286 : memref<8192xi32, #tpu.memory_space<hbm>>) target(%arg6 : memref<8192xi32, #tpu.memory_space<vmem>>) target_semaphore(%arg20 : memref<!tpu.dma_semaphore, #tpu.memory_space<semaphore_mem>>)
    %scan3A_287 = arith.constant 0 : i32
    %scan3A_288 = arith.constant 512 : i32
    %scan3A_289 = arith.addi %scan3A_287, %scan3A_288 : i32
    %scan3A_290 = arith.constant 1 : i32
    %scan3A_291 = scf.for %scan3A_418 = %scan3A_287 to %scan3A_289 step %scan3A_290 iter_args(%scan3A_419 = %cond3A_278) -> (i32)  : i32 {
      %mul3A_420 = arith.constant 16 : i32
      %mul3A_421 = arith.muli %scan3A_418, %mul3A_420 : i32
      %get3A_422 = arith.index_cast %mul3A_421 : i32 to index
      %get3A_423 = tpu.vector_load %arg7[%get3A_422] {strides = array<i32>} : memref<8192xi32, #tpu.memory_space<vmem>>, vector<16xi32>,
      %shift_right_logical3A = arith.constant 21 : i32
      %shift_right_logical3A_424 = vector.broadcast %shift_right_logical3A : i32 to vector<16xi32>
      %shift_right_logical3A_425 = arith.shrui %get3A_423, %shift_right_logical3A_424 : vector<16xi32>
      %eq3A = vector.broadcast %add3A : i32 to vector<16xi32>
      %eq3A_426 = arith.cmpi eq, %shift_right_logical3A_425, %eq3A : vector<16xi32>
      %swap3A_427 = arith.index_cast %scan3A_419 : i32 to index
      %swap3A_428 = tpu.vector_load %arg8[%swap3A_427] masked %eq3A_426 {strides = array<i32>} : memref<16400xi32, #tpu.memory_space<vmem>>, vector<16xi32>, vector<16xi1>
      tpu.vector_store %arg8[%swap3A_427], %get3A_423 masked %eq3A_426 {strides = array<i32>} : memref<16400xi32, #tpu.memory_space<vmem>>, vector<16xi32>, vector<16xi1>
      %all_reduce_population_count3A = tpu.all_reduce %eq3A_426 {dim = 0 : i64, kind = #tpu.reduction_kind<sum>} : vector<16xi1> -> vector<16xi32>
      %slice3A = vector.extract_strided_slice %all_reduce_population_count3A {offsets = [0], sizes = [1], strides = [1]} : vector<16xi32> to vector<1xi32>
      %squeeze3A = vector.extract %slice3A[0] : i32 from vector<1xi32>
      %add3A_429 = arith.addi %scan3A_419, %squeeze3A : i32
      scf.yield %add3A_429 : i32
    }
    %scan3A_292 = arith.constant 512 : i32
    %ge3A_293 = arith.constant 8192 : i32
    %ge3A_294 = arith.cmpi sge, %scan3A_291, %ge3A_293 : i32
    %convert_element_type3A_295 = arith.extui %ge3A_294 : i1 to i32
    %cond3A_296 = arith.constant 0 : i32
    %cond3A_297 = arith.cmpi ne, %convert_element_type3A_295, %cond3A_296 : i32
    %cond3A_298 = scf.if %cond3A_297 -> (i32) {
      %cond3A_418 = arith.constant 0 : i32
      scf.yield %cond3A_418 : i32
    } else {
      scf.yield %scan3A_291 : i32
    }
    %dma_wait3A_299 = arith.constant 0 : i32
    %dma_wait3A_300 = tpu.memref_slice %arg3[%dma_wait3A_299] : memref<131072xi32, #tpu.memory_space<hbm>> -> memref<8192xi32, #tpu.memory_space<hbm>>
    %dma_wait3A_301 = arith.constant 0 : i32
    %dma_wait3A_302 = tpu.memref_slice %arg3[%dma_wait3A_301] : memref<131072xi32, #tpu.memory_space<hbm>> -> memref<8192xi32, #tpu.memory_space<hbm>>
    tpu.wait_dma2 semaphore(%arg20 : memref<!tpu.dma_semaphore, #tpu.memory_space<semaphore_mem>>) src(%dma_wait3A_302 : memref<8192xi32, #tpu.memory_space<hbm>>) dst(%arg6 : memref<8192xi32, #tpu.memory_space<vmem>>)
    %dma_start3A_303 = arith.constant 106496 : i32
    %dma_start3A_304 = tpu.memref_slice %arg3[%dma_start3A_303] : memref<131072xi32, #tpu.memory_space<hbm>> -> memref<8192xi32, #tpu.memory_space<hbm>>
    %dma_start3A_305 = arith.constant 106496 : i32
    %dma_start3A_306 = tpu.memref_slice %arg3[%dma_start3A_305] : memref<131072xi32, #tpu.memory_space<hbm>> -> memref<8192xi32, #tpu.memory_space<hbm>>
    tpu.enqueue_dma source(%dma_start3A_306 : memref<8192xi32, #tpu.memory_space<hbm>>) target(%arg7 : memref<8192xi32, #tpu.memory_space<vmem>>) target_semaphore(%arg21 : memref<!tpu.dma_semaphore, #tpu.memory_space<semaphore_mem>>)
    %scan3A_307 = arith.constant 0 : i32
    %scan3A_308 = arith.constant 512 : i32
    %scan3A_309 = arith.addi %scan3A_307, %scan3A_308 : i32
    %scan3A_310 = arith.constant 1 : i32
    %scan3A_311 = scf.for %scan3A_418 = %scan3A_307 to %scan3A_309 step %scan3A_310 iter_args(%scan3A_419 = %cond3A_298) -> (i32)  : i32 {
      %mul3A_420 = arith.constant 16 : i32
      %mul3A_421 = arith.muli %scan3A_418, %mul3A_420 : i32
      %get3A_422 = arith.index_cast %mul3A_421 : i32 to index
      %get3A_423 = tpu.vector_load %arg6[%get3A_422] {strides = array<i32>} : memref<8192xi32, #tpu.memory_space<vmem>>, vector<16xi32>,
      %shift_right_logical3A = arith.constant 21 : i32
      %shift_right_logical3A_424 = vector.broadcast %shift_right_logical3A : i32 to vector<16xi32>
      %shift_right_logical3A_425 = arith.shrui %get3A_423, %shift_right_logical3A_424 : vector<16xi32>
      %eq3A = vector.broadcast %add3A : i32 to vector<16xi32>
      %eq3A_426 = arith.cmpi eq, %shift_right_logical3A_425, %eq3A : vector<16xi32>
      %swap3A_427 = arith.index_cast %scan3A_419 : i32 to index
      %swap3A_428 = tpu.vector_load %arg8[%swap3A_427] masked %eq3A_426 {strides = array<i32>} : memref<16400xi32, #tpu.memory_space<vmem>>, vector<16xi32>, vector<16xi1>
      tpu.vector_store %arg8[%swap3A_427], %get3A_423 masked %eq3A_426 {strides = array<i32>} : memref<16400xi32, #tpu.memory_space<vmem>>, vector<16xi32>, vector<16xi1>
      %all_reduce_population_count3A = tpu.all_reduce %eq3A_426 {dim = 0 : i64, kind = #tpu.reduction_kind<sum>} : vector<16xi1> -> vector<16xi32>
      %slice3A = vector.extract_strided_slice %all_reduce_population_count3A {offsets = [0], sizes = [1], strides = [1]} : vector<16xi32> to vector<1xi32>
      %squeeze3A = vector.extract %slice3A[0] : i32 from vector<1xi32>
      %add3A_429 = arith.addi %scan3A_419, %squeeze3A : i32
      scf.yield %add3A_429 : i32
    }
    %scan3A_312 = arith.constant 512 : i32
    %ge3A_313 = arith.constant 8192 : i32
    %ge3A_314 = arith.cmpi sge, %scan3A_311, %ge3A_313 : i32
    %convert_element_type3A_315 = arith.extui %ge3A_314 : i1 to i32
    %cond3A_316 = arith.constant 0 : i32
    %cond3A_317 = arith.cmpi ne, %convert_element_type3A_315, %cond3A_316 : i32
    %cond3A_318 = scf.if %cond3A_317 -> (i32) {
      %cond3A_418 = arith.constant 0 : i32
      scf.yield %cond3A_418 : i32
    } else {
      scf.yield %scan3A_311 : i32
    }
    %dma_wait3A_319 = arith.constant 0 : i32
    %dma_wait3A_320 = tpu.memref_slice %arg3[%dma_wait3A_319] : memref<131072xi32, #tpu.memory_space<hbm>> -> memref<8192xi32, #tpu.memory_space<hbm>>
    %dma_wait3A_321 = arith.constant 0 : i32
    %dma_wait3A_322 = tpu.memref_slice %arg3[%dma_wait3A_321] : memref<131072xi32, #tpu.memory_space<hbm>> -> memref<8192xi32, #tpu.memory_space<hbm>>
    tpu.wait_dma2 semaphore(%arg21 : memref<!tpu.dma_semaphore, #tpu.memory_space<semaphore_mem>>) src(%dma_wait3A_322 : memref<8192xi32, #tpu.memory_space<hbm>>) dst(%arg7 : memref<8192xi32, #tpu.memory_space<vmem>>)
    %dma_start3A_323 = arith.constant 114688 : i32
    %dma_start3A_324 = tpu.memref_slice %arg3[%dma_start3A_323] : memref<131072xi32, #tpu.memory_space<hbm>> -> memref<8192xi32, #tpu.memory_space<hbm>>
    %dma_start3A_325 = arith.constant 114688 : i32
    %dma_start3A_326 = tpu.memref_slice %arg3[%dma_start3A_325] : memref<131072xi32, #tpu.memory_space<hbm>> -> memref<8192xi32, #tpu.memory_space<hbm>>
    tpu.enqueue_dma source(%dma_start3A_326 : memref<8192xi32, #tpu.memory_space<hbm>>) target(%arg6 : memref<8192xi32, #tpu.memory_space<vmem>>) target_semaphore(%arg20 : memref<!tpu.dma_semaphore, #tpu.memory_space<semaphore_mem>>)
    %scan3A_327 = arith.constant 0 : i32
    %scan3A_328 = arith.constant 512 : i32
    %scan3A_329 = arith.addi %scan3A_327, %scan3A_328 : i32
    %scan3A_330 = arith.constant 1 : i32
    %scan3A_331 = scf.for %scan3A_418 = %scan3A_327 to %scan3A_329 step %scan3A_330 iter_args(%scan3A_419 = %cond3A_318) -> (i32)  : i32 {
      %mul3A_420 = arith.constant 16 : i32
      %mul3A_421 = arith.muli %scan3A_418, %mul3A_420 : i32
      %get3A_422 = arith.index_cast %mul3A_421 : i32 to index
      %get3A_423 = tpu.vector_load %arg7[%get3A_422] {strides = array<i32>} : memref<8192xi32, #tpu.memory_space<vmem>>, vector<16xi32>,
      %shift_right_logical3A = arith.constant 21 : i32
      %shift_right_logical3A_424 = vector.broadcast %shift_right_logical3A : i32 to vector<16xi32>
      %shift_right_logical3A_425 = arith.shrui %get3A_423, %shift_right_logical3A_424 : vector<16xi32>
      %eq3A = vector.broadcast %add3A : i32 to vector<16xi32>
      %eq3A_426 = arith.cmpi eq, %shift_right_logical3A_425, %eq3A : vector<16xi32>
      %swap3A_427 = arith.index_cast %scan3A_419 : i32 to index
      %swap3A_428 = tpu.vector_load %arg8[%swap3A_427] masked %eq3A_426 {strides = array<i32>} : memref<16400xi32, #tpu.memory_space<vmem>>, vector<16xi32>, vector<16xi1>
      tpu.vector_store %arg8[%swap3A_427], %get3A_423 masked %eq3A_426 {strides = array<i32>} : memref<16400xi32, #tpu.memory_space<vmem>>, vector<16xi32>, vector<16xi1>
      %all_reduce_population_count3A = tpu.all_reduce %eq3A_426 {dim = 0 : i64, kind = #tpu.reduction_kind<sum>} : vector<16xi1> -> vector<16xi32>
      %slice3A = vector.extract_strided_slice %all_reduce_population_count3A {offsets = [0], sizes = [1], strides = [1]} : vector<16xi32> to vector<1xi32>
      %squeeze3A = vector.extract %slice3A[0] : i32 from vector<1xi32>
      %add3A_429 = arith.addi %scan3A_419, %squeeze3A : i32
      scf.yield %add3A_429 : i32
    }
    %scan3A_332 = arith.constant 512 : i32
    %ge3A_333 = arith.constant 8192 : i32
    %ge3A_334 = arith.cmpi sge, %scan3A_331, %ge3A_333 : i32
    %convert_element_type3A_335 = arith.extui %ge3A_334 : i1 to i32
    %cond3A_336 = arith.constant 0 : i32
    %cond3A_337 = arith.cmpi ne, %convert_element_type3A_335, %cond3A_336 : i32
    %cond3A_338 = scf.if %cond3A_337 -> (i32) {
      %cond3A_418 = arith.constant 0 : i32
      scf.yield %cond3A_418 : i32
    } else {
      scf.yield %scan3A_331 : i32
    }
    %dma_wait3A_339 = arith.constant 0 : i32
    %dma_wait3A_340 = tpu.memref_slice %arg3[%dma_wait3A_339] : memref<131072xi32, #tpu.memory_space<hbm>> -> memref<8192xi32, #tpu.memory_space<hbm>>
    %dma_wait3A_341 = arith.constant 0 : i32
    %dma_wait3A_342 = tpu.memref_slice %arg3[%dma_wait3A_341] : memref<131072xi32, #tpu.memory_space<hbm>> -> memref<8192xi32, #tpu.memory_space<hbm>>
    tpu.wait_dma2 semaphore(%arg20 : memref<!tpu.dma_semaphore, #tpu.memory_space<semaphore_mem>>) src(%dma_wait3A_342 : memref<8192xi32, #tpu.memory_space<hbm>>) dst(%arg6 : memref<8192xi32, #tpu.memory_space<vmem>>)
    %dma_start3A_343 = arith.constant 122880 : i32
    %dma_start3A_344 = tpu.memref_slice %arg3[%dma_start3A_343] : memref<131072xi32, #tpu.memory_space<hbm>> -> memref<8192xi32, #tpu.memory_space<hbm>>
    %dma_start3A_345 = arith.constant 122880 : i32
    %dma_start3A_346 = tpu.memref_slice %arg3[%dma_start3A_345] : memref<131072xi32, #tpu.memory_space<hbm>> -> memref<8192xi32, #tpu.memory_space<hbm>>
    tpu.enqueue_dma source(%dma_start3A_346 : memref<8192xi32, #tpu.memory_space<hbm>>) target(%arg7 : memref<8192xi32, #tpu.memory_space<vmem>>) target_semaphore(%arg21 : memref<!tpu.dma_semaphore, #tpu.memory_space<semaphore_mem>>)
    %scan3A_347 = arith.constant 0 : i32
    %scan3A_348 = arith.constant 512 : i32
    %scan3A_349 = arith.addi %scan3A_347, %scan3A_348 : i32
    %scan3A_350 = arith.constant 1 : i32
    %scan3A_351 = scf.for %scan3A_418 = %scan3A_347 to %scan3A_349 step %scan3A_350 iter_args(%scan3A_419 = %cond3A_338) -> (i32)  : i32 {
      %mul3A_420 = arith.constant 16 : i32
      %mul3A_421 = arith.muli %scan3A_418, %mul3A_420 : i32
      %get3A_422 = arith.index_cast %mul3A_421 : i32 to index
      %get3A_423 = tpu.vector_load %arg6[%get3A_422] {strides = array<i32>} : memref<8192xi32, #tpu.memory_space<vmem>>, vector<16xi32>,
      %shift_right_logical3A = arith.constant 21 : i32
      %shift_right_logical3A_424 = vector.broadcast %shift_right_logical3A : i32 to vector<16xi32>
      %shift_right_logical3A_425 = arith.shrui %get3A_423, %shift_right_logical3A_424 : vector<16xi32>
      %eq3A = vector.broadcast %add3A : i32 to vector<16xi32>
      %eq3A_426 = arith.cmpi eq, %shift_right_logical3A_425, %eq3A : vector<16xi32>
      %swap3A_427 = arith.index_cast %scan3A_419 : i32 to index
      %swap3A_428 = tpu.vector_load %arg8[%swap3A_427] masked %eq3A_426 {strides = array<i32>} : memref<16400xi32, #tpu.memory_space<vmem>>, vector<16xi32>, vector<16xi1>
      tpu.vector_store %arg8[%swap3A_427], %get3A_423 masked %eq3A_426 {strides = array<i32>} : memref<16400xi32, #tpu.memory_space<vmem>>, vector<16xi32>, vector<16xi1>
      %all_reduce_population_count3A = tpu.all_reduce %eq3A_426 {dim = 0 : i64, kind = #tpu.reduction_kind<sum>} : vector<16xi1> -> vector<16xi32>
      %slice3A = vector.extract_strided_slice %all_reduce_population_count3A {offsets = [0], sizes = [1], strides = [1]} : vector<16xi32> to vector<1xi32>
      %squeeze3A = vector.extract %slice3A[0] : i32 from vector<1xi32>
      %add3A_429 = arith.addi %scan3A_419, %squeeze3A : i32
      scf.yield %add3A_429 : i32
    }
    %scan3A_352 = arith.constant 512 : i32
    %ge3A_353 = arith.constant 8192 : i32
    %ge3A_354 = arith.cmpi sge, %scan3A_351, %ge3A_353 : i32
    %convert_element_type3A_355 = arith.extui %ge3A_354 : i1 to i32
    %cond3A_356 = arith.constant 0 : i32
    %cond3A_357 = arith.cmpi ne, %convert_element_type3A_355, %cond3A_356 : i32
    %cond3A_358 = scf.if %cond3A_357 -> (i32) {
      %cond3A_418 = arith.constant 0 : i32
      scf.yield %cond3A_418 : i32
    } else {
      scf.yield %scan3A_351 : i32
    }
    %dma_wait3A_359 = arith.constant 0 : i32
    %dma_wait3A_360 = tpu.memref_slice %arg3[%dma_wait3A_359] : memref<131072xi32, #tpu.memory_space<hbm>> -> memref<8192xi32, #tpu.memory_space<hbm>>
    %dma_wait3A_361 = arith.constant 0 : i32
    %dma_wait3A_362 = tpu.memref_slice %arg3[%dma_wait3A_361] : memref<131072xi32, #tpu.memory_space<hbm>> -> memref<8192xi32, #tpu.memory_space<hbm>>
    tpu.wait_dma2 semaphore(%arg21 : memref<!tpu.dma_semaphore, #tpu.memory_space<semaphore_mem>>) src(%dma_wait3A_362 : memref<8192xi32, #tpu.memory_space<hbm>>) dst(%arg7 : memref<8192xi32, #tpu.memory_space<vmem>>)
    %scan3A_363 = arith.constant 0 : i32
    %scan3A_364 = arith.constant 512 : i32
    %scan3A_365 = arith.addi %scan3A_363, %scan3A_364 : i32
    %scan3A_366 = arith.constant 1 : i32
    %scan3A_367 = scf.for %scan3A_418 = %scan3A_363 to %scan3A_365 step %scan3A_366 iter_args(%scan3A_419 = %cond3A_358) -> (i32)  : i32 {
      %mul3A_420 = arith.constant 16 : i32
      %mul3A_421 = arith.muli %scan3A_418, %mul3A_420 : i32
      %get3A_422 = arith.index_cast %mul3A_421 : i32 to index
      %get3A_423 = tpu.vector_load %arg7[%get3A_422] {strides = array<i32>} : memref<8192xi32, #tpu.memory_space<vmem>>, vector<16xi32>,
      %shift_right_logical3A = arith.constant 21 : i32
      %shift_right_logical3A_424 = vector.broadcast %shift_right_logical3A : i32 to vector<16xi32>
      %shift_right_logical3A_425 = arith.shrui %get3A_423, %shift_right_logical3A_424 : vector<16xi32>
      %eq3A = vector.broadcast %add3A : i32 to vector<16xi32>
      %eq3A_426 = arith.cmpi eq, %shift_right_logical3A_425, %eq3A : vector<16xi32>
      %swap3A_427 = arith.index_cast %scan3A_419 : i32 to index
      %swap3A_428 = tpu.vector_load %arg8[%swap3A_427] masked %eq3A_426 {strides = array<i32>} : memref<16400xi32, #tpu.memory_space<vmem>>, vector<16xi32>, vector<16xi1>
      tpu.vector_store %arg8[%swap3A_427], %get3A_423 masked %eq3A_426 {strides = array<i32>} : memref<16400xi32, #tpu.memory_space<vmem>>, vector<16xi32>, vector<16xi1>
      %all_reduce_population_count3A = tpu.all_reduce %eq3A_426 {dim = 0 : i64, kind = #tpu.reduction_kind<sum>} : vector<16xi1> -> vector<16xi32>
      %slice3A = vector.extract_strided_slice %all_reduce_population_count3A {offsets = [0], sizes = [1], strides = [1]} : vector<16xi32> to vector<1xi32>
      %squeeze3A = vector.extract %slice3A[0] : i32 from vector<1xi32>
      %add3A_429 = arith.addi %scan3A_419, %squeeze3A : i32
      scf.yield %add3A_429 : i32
    }
    %scan3A_368 = arith.constant 512 : i32
    %ge3A_369 = arith.constant 8192 : i32
    %ge3A_370 = arith.cmpi sge, %scan3A_367, %ge3A_369 : i32
    %convert_element_type3A_371 = arith.extui %ge3A_370 : i1 to i32
    %cond3A_372 = arith.constant 0 : i32
    %cond3A_373 = arith.cmpi ne, %convert_element_type3A_371, %cond3A_372 : i32
    %cond3A_374 = scf.if %cond3A_373 -> (i32) {
      %cond3A_418 = arith.constant 0 : i32
      scf.yield %cond3A_418 : i32
    } else {
      scf.yield %scan3A_367 : i32
    }
    %get3A = arith.constant 0 : index
    %get3A_375 = tpu.vector_load %arg16[%get3A] {strides = array<i32>} : memref<128xi32, #tpu.memory_space<vmem>>, vector<16xi32>,
    %convert_element_type3A_376 = arith.sitofp %get3A_375 : vector<16xi32> to vector<16xf32>
    %swap3A_377 = arith.constant 0 : index
    %swap3A_378 = tpu.vector_load %arg19[%swap3A_377] {strides = array<i32>} : memref<128xf32, #tpu.memory_space<vmem>>, vector<16xf32>,
    tpu.vector_store %arg19[%swap3A_377], %convert_element_type3A_376 {strides = array<i32>} : memref<128xf32, #tpu.memory_space<vmem>>, vector<16xf32>,
    %get3A_379 = arith.constant 16 : index
    %get3A_380 = tpu.vector_load %arg16[%get3A_379] {strides = array<i32>} : memref<128xi32, #tpu.memory_space<vmem>>, vector<16xi32>,
    %convert_element_type3A_381 = arith.sitofp %get3A_380 : vector<16xi32> to vector<16xf32>
    %swap3A_382 = arith.constant 16 : index
    %swap3A_383 = tpu.vector_load %arg19[%swap3A_382] {strides = array<i32>} : memref<128xf32, #tpu.memory_space<vmem>>, vector<16xf32>,
    tpu.vector_store %arg19[%swap3A_382], %convert_element_type3A_381 {strides = array<i32>} : memref<128xf32, #tpu.memory_space<vmem>>, vector<16xf32>,
    %get3A_384 = arith.constant 32 : index
    %get3A_385 = tpu.vector_load %arg16[%get3A_384] {strides = array<i32>} : memref<128xi32, #tpu.memory_space<vmem>>, vector<16xi32>,
    %convert_element_type3A_386 = arith.sitofp %get3A_385 : vector<16xi32> to vector<16xf32>
    %swap3A_387 = arith.constant 32 : index
    %swap3A_388 = tpu.vector_load %arg19[%swap3A_387] {strides = array<i32>} : memref<128xf32, #tpu.memory_space<vmem>>, vector<16xf32>,
    tpu.vector_store %arg19[%swap3A_387], %convert_element_type3A_386 {strides = array<i32>} : memref<128xf32, #tpu.memory_space<vmem>>, vector<16xf32>,
    %get3A_389 = arith.constant 48 : index
    %get3A_390 = tpu.vector_load %arg16[%get3A_389] {strides = array<i32>} : memref<128xi32, #tpu.memory_space<vmem>>, vector<16xi32>,
    %convert_element_type3A_391 = arith.sitofp %get3A_390 : vector<16xi32> to vector<16xf32>
    %swap3A_392 = arith.constant 48 : index
    %swap3A_393 = tpu.vector_load %arg19[%swap3A_392] {strides = array<i32>} : memref<128xf32, #tpu.memory_space<vmem>>, vector<16xf32>,
    tpu.vector_store %arg19[%swap3A_392], %convert_element_type3A_391 {strides = array<i32>} : memref<128xf32, #tpu.memory_space<vmem>>, vector<16xf32>,
    %get3A_394 = arith.constant 64 : index
    %get3A_395 = tpu.vector_load %arg16[%get3A_394] {strides = array<i32>} : memref<128xi32, #tpu.memory_space<vmem>>, vector<16xi32>,
    %convert_element_type3A_396 = arith.sitofp %get3A_395 : vector<16xi32> to vector<16xf32>
    %swap3A_397 = arith.constant 64 : index
    %swap3A_398 = tpu.vector_load %arg19[%swap3A_397] {strides = array<i32>} : memref<128xf32, #tpu.memory_space<vmem>>, vector<16xf32>,
    tpu.vector_store %arg19[%swap3A_397], %convert_element_type3A_396 {strides = array<i32>} : memref<128xf32, #tpu.memory_space<vmem>>, vector<16xf32>,
    %get3A_399 = arith.constant 80 : index
    %get3A_400 = tpu.vector_load %arg16[%get3A_399] {strides = array<i32>} : memref<128xi32, #tpu.memory_space<vmem>>, vector<16xi32>,
    %convert_element_type3A_401 = arith.sitofp %get3A_400 : vector<16xi32> to vector<16xf32>
    %swap3A_402 = arith.constant 80 : index
    %swap3A_403 = tpu.vector_load %arg19[%swap3A_402] {strides = array<i32>} : memref<128xf32, #tpu.memory_space<vmem>>, vector<16xf32>,
    tpu.vector_store %arg19[%swap3A_402], %convert_element_type3A_401 {strides = array<i32>} : memref<128xf32, #tpu.memory_space<vmem>>, vector<16xf32>,
    %get3A_404 = arith.constant 96 : index
    %get3A_405 = tpu.vector_load %arg16[%get3A_404] {strides = array<i32>} : memref<128xi32, #tpu.memory_space<vmem>>, vector<16xi32>,
    %convert_element_type3A_406 = arith.sitofp %get3A_405 : vector<16xi32> to vector<16xf32>
    %swap3A_407 = arith.constant 96 : index
    %swap3A_408 = tpu.vector_load %arg19[%swap3A_407] {strides = array<i32>} : memref<128xf32, #tpu.memory_space<vmem>>, vector<16xf32>,
    tpu.vector_store %arg19[%swap3A_407], %convert_element_type3A_406 {strides = array<i32>} : memref<128xf32, #tpu.memory_space<vmem>>, vector<16xf32>,
    %get3A_409 = arith.constant 112 : index
    %get3A_410 = tpu.vector_load %arg16[%get3A_409] {strides = array<i32>} : memref<128xi32, #tpu.memory_space<vmem>>, vector<16xi32>,
    %convert_element_type3A_411 = arith.sitofp %get3A_410 : vector<16xi32> to vector<16xf32>
    %swap3A_412 = arith.constant 112 : index
    %swap3A_413 = tpu.vector_load %arg19[%swap3A_412] {strides = array<i32>} : memref<128xf32, #tpu.memory_space<vmem>>, vector<16xf32>,
    tpu.vector_store %arg19[%swap3A_412], %convert_element_type3A_411 {strides = array<i32>} : memref<128xf32, #tpu.memory_space<vmem>>, vector<16xf32>,
    %mul3A_414 = arith.constant 128 : i32
    %mul3A_415 = arith.muli %add3A, %mul3A_414 : i32
    "tpu.region"() ({
      %run_scoped3A = tpu.sem_alloc : memref<!tpu.dma_semaphore, #tpu.memory_space<semaphore_mem>>
      %dma_start3A_418 = arith.constant 0 : i32
      %dma_start3A_419 = tpu.memref_slice %arg4[%mul3A_415, %dma_start3A_418] : memref<4096x128xf32, #tpu.memory_space<hbm>> -> memref<128x128xf32, #tpu.memory_space<hbm>>
      %dma_start3A_420 = arith.constant 0 : i32
      %dma_start3A_421 = tpu.memref_slice %arg4[%mul3A_415, %dma_start3A_420] : memref<4096x128xf32, #tpu.memory_space<hbm>> -> memref<128x128xf32, #tpu.memory_space<hbm>>
      tpu.enqueue_dma source(%arg10 : memref<128x128xf32, #tpu.memory_space<vmem>>) target(%dma_start3A_421 : memref<128x128xf32, #tpu.memory_space<hbm>>) target_semaphore(%run_scoped3A : memref<!tpu.dma_semaphore, #tpu.memory_space<semaphore_mem>>)
      %dma_wait3A_422 = arith.constant 0 : i32
      %dma_wait3A_423 = tpu.memref_slice %arg4[%mul3A_415, %dma_wait3A_422] : memref<4096x128xf32, #tpu.memory_space<hbm>> -> memref<128x128xf32, #tpu.memory_space<hbm>>
      %dma_wait3A_424 = arith.constant 0 : i32
      %dma_wait3A_425 = tpu.memref_slice %arg4[%mul3A_415, %dma_wait3A_424] : memref<4096x128xf32, #tpu.memory_space<hbm>> -> memref<128x128xf32, #tpu.memory_space<hbm>>
      tpu.wait_dma2 semaphore(%run_scoped3A : memref<!tpu.dma_semaphore, #tpu.memory_space<semaphore_mem>>) src(%arg10 : memref<128x128xf32, #tpu.memory_space<vmem>>) dst(%dma_wait3A_425 : memref<128x128xf32, #tpu.memory_space<hbm>>)
      tpu.yield
    }) : () -> ()
    %mul3A_416 = arith.constant 128 : i32
    %mul3A_417 = arith.muli %add3A, %mul3A_416 : i32
    "tpu.region"() ({
      %run_scoped3A = tpu.sem_alloc : memref<!tpu.dma_semaphore, #tpu.memory_space<semaphore_mem>>
      %dma_start3A_418 = tpu.memref_slice %arg5[%mul3A_417] : memref<4096xf32, #tpu.memory_space<hbm>> -> memref<128xf32, #tpu.memory_space<hbm>>
      %dma_start3A_419 = tpu.memref_slice %arg5[%mul3A_417] : memref<4096xf32, #tpu.memory_space<hbm>> -> memref<128xf32, #tpu.memory_space<hbm>>
      tpu.enqueue_dma source(%arg19 : memref<128xf32, #tpu.memory_space<vmem>>) target(%dma_start3A_419 : memref<128xf32, #tpu.memory_space<hbm>>) target_semaphore(%run_scoped3A : memref<!tpu.dma_semaphore, #tpu.memory_space<semaphore_mem>>)
      %dma_wait3A_420 = tpu.memref_slice %arg5[%mul3A_417] : memref<4096xf32, #tpu.memory_space<hbm>> -> memref<128xf32, #tpu.memory_space<hbm>>
      %dma_wait3A_421 = tpu.memref_slice %arg5[%mul3A_417] : memref<4096xf32, #tpu.memory_space<hbm>> -> memref<128xf32, #tpu.memory_space<hbm>>
      tpu.wait_dma2 semaphore(%run_scoped3A : memref<!tpu.dma_semaphore, #tpu.memory_space<semaphore_mem>>) src(%arg19 : memref<128xf32, #tpu.memory_space<vmem>>) dst(%dma_wait3A_421 : memref<128xf32, #tpu.memory_space<hbm>>)
      tpu.yield
    }) : () -> ()
    return
  }
}

module attributes {stable_mosaic.version = 14 : i64} {
  func.func @_tc_body(%arg0: memref<4096x128xf32, #tpu.memory_space<vmem>>, %arg1: memref<4096x1xf32, #tpu.memory_space<vmem>>, %arg2: memref<128x256xf32, #tpu.memory_space<vmem>>, %arg3: memref<1x256xf32, #tpu.memory_space<vmem>>, %arg4: memref<4096x256xf32, #tpu.memory_space<vmem>>) attributes {dimension_semantics = [], scalar_prefetch = 0 : i64, scratch_operands = 0 : i64, tpu.core_type = #tpu.core_type<tc>} {
    %get3A = arith.constant 0 : index
    %get3A_0 = arith.constant 0 : index
    %get3A_1 = vector.load %arg1[%get3A, %get3A_0] : memref<4096x1xf32, #tpu.memory_space<vmem>>, vector<4096x1xf32>
    %get3A_2 = arith.constant 0 : index
    %get3A_3 = arith.constant 0 : index
    %get3A_4 = vector.load %arg0[%get3A_2, %get3A_3] : memref<4096x128xf32, #tpu.memory_space<vmem>>, vector<4096x128xf32>
    %max3A = arith.constant 1.000000e+00 : f32
    %max3A_5 = vector.broadcast %max3A : f32 to vector<4096x1xf32>
    %max3A_6 = arith.maximumf %get3A_1, %max3A_5 : vector<4096x1xf32>
    %div3A = vector.broadcast %max3A_6 : vector<4096x1xf32> to vector<4096x128xf32>
    %div3A_7 = arith.divf %get3A_4, %div3A : vector<4096x128xf32>
    %get3A_8 = arith.constant 0 : index
    %get3A_9 = arith.constant 0 : index
    %get3A_10 = vector.load %arg2[%get3A_8, %get3A_9] : memref<128x256xf32, #tpu.memory_space<vmem>>, vector<128x256xf32>
    %dot_general3A = arith.constant dense<0.000000e+00> : vector<4096x256xf32>
    %dot_general3A_11 = tpu.matmul %div3A_7, %get3A_10, %dot_general3A {dimension_numbers = #tpu.dot_dimension_numbers<[1], [0], [0], [1], [0, 0, 1, 1], [], []>, transpose_lhs_hint = false} : vector<4096x128xf32>, vector<128x256xf32>, vector<4096x256xf32> -> vector<4096x256xf32>
    %get3A_12 = arith.constant 0 : index
    %get3A_13 = arith.constant 0 : index
    %get3A_14 = vector.load %arg3[%get3A_12, %get3A_13] : memref<1x256xf32, #tpu.memory_space<vmem>>, vector<1x256xf32>
    %add3A = vector.broadcast %get3A_14 : vector<1x256xf32> to vector<4096x256xf32>
    %add3A_15 = arith.addf %dot_general3A_11, %add3A : vector<4096x256xf32>
    %max3A_16 = arith.constant 0.000000e+00 : f32
    %max3A_17 = vector.broadcast %max3A_16 : f32 to vector<4096x256xf32>
    %max3A_18 = arith.maximumf %add3A_15, %max3A_17 : vector<4096x256xf32>
    %swap3A = arith.constant 0 : index
    %swap3A_19 = arith.constant 0 : index
    %swap3A_20 = vector.load %arg4[%swap3A, %swap3A_19] : memref<4096x256xf32, #tpu.memory_space<vmem>>, vector<4096x256xf32>
    tpu.vector_store %arg4[%swap3A, %swap3A_19], %max3A_18 {strides = array<i32>} : memref<4096x256xf32, #tpu.memory_space<vmem>>, vector<4096x256xf32>,
    return
  }
}

module attributes {stable_mosaic.version = 14 : i64} {
  func.func @_tc_body(%arg0: memref<1024x256xf32, #tpu.memory_space<vmem>>, %arg1: memref<1024x1xf32, #tpu.memory_space<vmem>>, %arg2: memref<256x64xf32, #tpu.memory_space<vmem>>, %arg3: memref<1x64xf32, #tpu.memory_space<vmem>>, %arg4: memref<1024x64xf32, #tpu.memory_space<vmem>>) attributes {dimension_semantics = [], scalar_prefetch = 0 : i64, scratch_operands = 0 : i64, tpu.core_type = #tpu.core_type<tc>} {
    %get3A = arith.constant 0 : index
    %get3A_0 = arith.constant 0 : index
    %get3A_1 = vector.load %arg1[%get3A, %get3A_0] : memref<1024x1xf32, #tpu.memory_space<vmem>>, vector<1024x1xf32>
    %get3A_2 = arith.constant 0 : index
    %get3A_3 = arith.constant 0 : index
    %get3A_4 = vector.load %arg0[%get3A_2, %get3A_3] : memref<1024x256xf32, #tpu.memory_space<vmem>>, vector<1024x256xf32>
    %max3A = arith.constant 1.000000e+00 : f32
    %max3A_5 = vector.broadcast %max3A : f32 to vector<1024x1xf32>
    %max3A_6 = arith.maximumf %get3A_1, %max3A_5 : vector<1024x1xf32>
    %div3A = vector.broadcast %max3A_6 : vector<1024x1xf32> to vector<1024x256xf32>
    %div3A_7 = arith.divf %get3A_4, %div3A : vector<1024x256xf32>
    %get3A_8 = arith.constant 0 : index
    %get3A_9 = arith.constant 0 : index
    %get3A_10 = vector.load %arg2[%get3A_8, %get3A_9] : memref<256x64xf32, #tpu.memory_space<vmem>>, vector<256x64xf32>
    %dot_general3A = arith.constant dense<0.000000e+00> : vector<1024x64xf32>
    %dot_general3A_11 = tpu.matmul %div3A_7, %get3A_10, %dot_general3A {dimension_numbers = #tpu.dot_dimension_numbers<[1], [0], [0], [1], [0, 0, 1, 1], [], []>, transpose_lhs_hint = false} : vector<1024x256xf32>, vector<256x64xf32>, vector<1024x64xf32> -> vector<1024x64xf32>
    %get3A_12 = arith.constant 0 : index
    %get3A_13 = arith.constant 0 : index
    %get3A_14 = vector.load %arg3[%get3A_12, %get3A_13] : memref<1x64xf32, #tpu.memory_space<vmem>>, vector<1x64xf32>
    %add3A = vector.broadcast %get3A_14 : vector<1x64xf32> to vector<1024x64xf32>
    %add3A_15 = arith.addf %dot_general3A_11, %add3A : vector<1024x64xf32>
    %reduce_max3A = arith.constant dense<0xFF800000> : vector<1024xf32>
    %reduce_max3A_16 = vector.multi_reduction <maximumf>, %add3A_15, %reduce_max3A [1] : vector<1024x64xf32> to vector<1024xf32>
    %broadcast_in_dim3A = vector.shape_cast %reduce_max3A_16 : vector<1024xf32> to vector<1024x1xf32>
    %sub3A = vector.broadcast %broadcast_in_dim3A : vector<1024x1xf32> to vector<1024x64xf32>
    %sub3A_17 = arith.subf %add3A_15, %sub3A : vector<1024x64xf32>
    %exp3A = math.exp %sub3A_17 : vector<1024x64xf32>
    %reduce_sum3A = arith.constant dense<0.000000e+00> : vector<1024xf32>
    %reduce_sum3A_18 = vector.multi_reduction <add>, %exp3A, %reduce_sum3A [1] : vector<1024x64xf32> to vector<1024xf32>
    %broadcast_in_dim3A_19 = vector.shape_cast %reduce_sum3A_18 : vector<1024xf32> to vector<1024x1xf32>
    %log3A = math.log %broadcast_in_dim3A_19 : vector<1024x1xf32>
    %add3A_20 = arith.addf %log3A, %broadcast_in_dim3A : vector<1024x1xf32>
    %sub3A_21 = vector.broadcast %add3A_20 : vector<1024x1xf32> to vector<1024x64xf32>
    %sub3A_22 = arith.subf %add3A_15, %sub3A_21 : vector<1024x64xf32>
    %swap3A = arith.constant 0 : index
    %swap3A_23 = arith.constant 0 : index
    %swap3A_24 = vector.load %arg4[%swap3A, %swap3A_23] : memref<1024x64xf32, #tpu.memory_space<vmem>>, vector<1024x64xf32>
    tpu.vector_store %arg4[%swap3A, %swap3A_23], %sub3A_22 {strides = array<i32>} : memref<1024x64xf32, #tpu.memory_space<vmem>>, vector<1024x64xf32>,
    return
  }
}

</mosaic_0001>

<sc_bundles>
// kernel: kernel.6.cloned.1.call-start
scs
__scs_entry_jumppad:
0x0: {  	(pc) =	sbr.rel $0x88, $3  }
0x1: {  	(tag) =	ssettag $0x0;
	lr =	simm.s32 $0x1  }
0x2: {  	[smem:$0x3F9A] =	sst lr;
	_ =	strace $0xD0000000  }
0x3: {  	_ = 	snop  }
0x4: {  	_ = 	snop  }
0x5: {  	_ = 	snop  }
0x6: {  	_ = 	snop  }
0x7: {  	_ = 	snop  }
__scs_overlays_trampoline_lowered:
0x8: {  	[smem:$0x3FA9] =	sst s0  }
0x9: {  	[smem:$0x3FAA] =	sst s1  }
0xa: {  	[smem:$0x3FAB] =	sst s2  }
0xb: {  	[smem:$0x3FAC] =	sst s3  }
0xc: {  	[smem:$0x3FAD] =	sst s4  }
0xd: {  	[smem:$0x3FAE] =	sst s5  }
0xe: {  	[smem:$0x3FAF] =	sst s6  }
0xf: {  	[smem:$0x3FB0] =	sst s7  }
0x10: {  	[smem:$0x3FB1] =	sst s8  }
0x11: {  	[smem:$0x3FB2] =	sst s9;
	s0 =	simm.s32 @!p0 $0x0  }
0x12: {  	s1 =	sld [smem:$0x3F98];
	s0 =	simm.s32 @p0 $0x1  }
0x13: {  	[smem:$0x3FB3] =	sst s0;
	s0 =	simm.s32 @!p1 $0x0  }
0x14: {  	s2 =	sld [smem:$0x3F97];
	s0 =	simm.s32 @p1 $0x1  }
0x15: {  	[smem:$0x3FB4] =	sst s0;
	s0 =	simm.s32 @!p2 $0x0  }
0x16: {  	s3 =	sld [smem:$0x3FDB];
	s0 =	simm.s32 @p2 $0x1  }
0x17: {  	s4 =	simm.s32 $0x1BF5;
	[smem:$0x3FB6] =	sst s0  }
0x18: {  	s0 =	sld [smem:$0x3F99];
	_ =	swait.ge [sflag:s4], $0x0  }
0x19: {  	s7 =	sld [smem:$0x3F9A]  }
0x1a: {  	s8 =	sadd.s32 $0xFFFFE003, lr  }
0x1b: {  	s9 =	sadd.s32 $0xFFFFFEF7, lr;
	s5 =	simm.s32 $0xFFFFFFFF;
	p2 =	slt.u32 s8, $0xFFFFF086  }
0x1c: {  	p1 =	slt.u32 s9, $0xF7A;
	s5 =	simm.s32 @!p2 $0x0  }
0x1d: {  	s5 =	simm.s32 @p1 $0x1;
	p0 =	seq.s32 s7, s2  }
0x1e: {  	s7 =	smul.u32 @!p0 $0xF7A, s2;
	p2 =	seq.s32 @!p0 s5, $0x0  }
0x1f: {  	s9 =	smul.u32 $0xF7A, s1;
	s8 =	simm.s32 @!p0 $0x1BF5;
	p2 =	por !p2, p0  }
0x20: {  	[sflag:s8] =	ssyncset.s32 @!p0 $0xFFFFF086;
	s6 =	sadd.s32 @!p0 s3, s7;
	s7 =	simm.s32 @!p0 $0x108  }
0x21: {  	s3 =	sadd.s32 s3, s9;
	s6 =	sadd.s32 @!p0 $0x88, s6;
	s7 =	simm.s32 @p2 $0x1082  }
0x22: {  	[simem:s7], [sflag:s8] =	dma.local @!p0 [hbm:s6], $0xF7A  }
0x23: {  	s9 =	sor.u32 $0xD0000000, s2;
	s6 =	simm.s32 $0x108;
	_ =	swait.ge @!p0 [sflag:s8], $0x0  }
0x24: {  	s3 =	sadd.s32 $0x88, s3;
	s6 =	simm.s32 @!p1 $0x1082;
	[sflag:s4] =	ssyncset.s32 $0xFFFFF086  }
0x25: {  	[simem:s6], [sflag:s4] =	dma.local [hbm:s3], $0xF7A  }
0x26: {  	[smem:$0x3F9A] =	sst s1;
	(tag) =	ssettag s2;
	_ =	strace s9  }
0x27: {  	s1 =	sld [smem:$0x3FAA]  }
0x28: {  	s2 =	sld [smem:$0x3FAB]  }
0x29: {  	s4 =	sld [smem:$0x3FAD]  }
0x2a: {  	p0 =	seq.s32 s5, $0x0;
	s5 =	sld [smem:$0x3FAE]  }
0x2b: {  	s6 =	sld [smem:$0x3FAF]  }
0x2c: {  	s7 =	sld [smem:$0x3FB0]  }
0x2d: {  	s3 =	simm.s32 $0x108;
	s8 =	sld [smem:$0x3FB1]  }
0x2e: {  	s3 =	simm.s32 @!p0 $0x1082;
	s9 =	sld [smem:$0x3FB2]  }
0x2f: {  	lr =	sadd.s32 s0, s3;
	s0 =	sld [smem:$0x3FA9]  }
0x30: {  	s3 =	sld [smem:$0x3FAC]  }
0x31: {  	[smem:$0x3FB5] =	sst s10  }
0x32: {  	s10 =	sld [smem:$0x3FB3];
	_ =	sdelay $0x3  }
0x33: {  	p0 =	seq.s32 s10, $0x1;
	s10 =	sld [smem:$0x3FB5];
	_ =	sdelay $0x3  }
0x34: {  	[smem:$0x3FB5] =	sst s10  }
0x35: {  	s10 =	sld [smem:$0x3FB4];
	_ =	sdelay $0x3  }
0x36: {  	p1 =	seq.s32 s10, $0x1;
	s10 =	sld [smem:$0x3FB5];
	_ =	sdelay $0x3  }
0x37: {  	[smem:$0x3FB5] =	sst s10  }
0x38: {  	s10 =	sld [smem:$0x3FB6]  }
0x39: {  	_ = 	snop;
	(pc) =	sbr.ind lr, $3  }
0x3a: {  	_ = 	snop  }
0x3b: {  	_ = 	snop  }
0x3c: {  	p2 =	seq.s32 s10, $0x1;
	s10 =	sld [smem:$0x3FB5]  }
0x3d: {  	_ =	shalt  }
0x3e: {  	_ =	shalt  }
0x3f: {  	_ =	shalt  }
0x40: {  	_ =	shalt  }
0x41: {  	_ =	shalt  }
0x42: {  	_ =	shalt  }
0x43: {  	_ =	shalt  }
0x44: {  	_ =	shalt  }
0x45: {  	_ =	shalt  }
0x46: {  	_ =	shalt  }
0x47: {  	_ =	shalt  }
0x48: {  	_ =	shalt  }
0x49: {  	_ =	shalt  }
0x4a: {  	_ =	shalt  }
0x4b: {  	_ =	shalt  }
0x4c: {  	_ =	shalt  }
0x4d: {  	_ =	shalt  }
0x4e: {  	_ =	shalt  }
0x4f: {  	_ =	shalt  }
0x50: {  	_ =	shalt  }
0x51: {  	_ =	shalt  }
0x52: {  	_ =	shalt  }
0x53: {  	_ =	shalt  }
0x54: {  	_ =	shalt  }
0x55: {  	_ =	shalt  }
0x56: {  	_ =	shalt  }
0x57: {  	_ =	shalt  }
0x58: {  	_ =	shalt  }
0x59: {  	_ =	shalt  }
0x5a: {  	_ =	shalt  }
0x5b: {  	_ =	shalt  }
0x5c: {  	_ =	shalt  }
0x5d: {  	_ =	shalt  }
0x5e: {  	_ =	shalt  }
0x5f: {  	_ =	shalt  }
0x60: {  	_ =	shalt  }
0x61: {  	_ =	shalt  }
0x62: {  	_ =	shalt  }
0x63: {  	_ =	shalt  }
0x64: {  	_ =	shalt  }
0x65: {  	_ =	shalt  }
0x66: {  	_ =	shalt  }
0x67: {  	_ =	shalt  }
0x68: {  	_ =	shalt  }
0x69: {  	_ =	shalt  }
0x6a: {  	_ =	shalt  }
0x6b: {  	_ =	shalt  }
0x6c: {  	_ =	shalt  }
0x6d: {  	_ =	shalt  }
0x6e: {  	_ =	shalt  }
0x6f: {  	_ =	shalt  }
0x70: {  	_ =	shalt  }
0x71: {  	_ =	shalt  }
0x72: {  	_ =	shalt  }
0x73: {  	_ =	shalt  }
0x74: {  	_ =	shalt  }
0x75: {  	_ =	shalt  }
0x76: {  	_ =	shalt  }
0x77: {  	_ =	shalt  }
0x78: {  	_ =	shalt  }
0x79: {  	_ =	shalt  }
0x7a: {  	_ =	shalt  }
0x7b: {  	_ =	shalt  }
0x7c: {  	_ =	shalt  }
0x7d: {  	_ =	shalt  }
0x7e: {  	_ =	shalt  }
0x7f: {  	_ =	shalt  }
0x80: {  	_ =	shalt  }
0x81: {  	_ =	shalt  }
0x82: {  	_ =	shalt  }
0x83: {  	_ =	shalt  }
0x84: {  	_ =	shalt  }
0x85: {  	_ =	shalt  }
0x86: {  	_ =	shalt  }
0x87: {  	_ =	shalt  }
.Lfunc_end0:
.L_simem_size_0:
called_computation_lowered:
.L_overlay_start_0:
0x88: {  	s2 =	sld [smem:$0x3FD9]  }
0x89: {  	s3 =	sld [smem:$0x3FFE];
	_ =	sdelay $0x1  }
0x8a: {  	s1 =	srdreg.scid  }
0x8b: {  	s0 =	sand.u32 $0x1, s1  }
0x8c: {  	s16 =	sshll.u32 s0, $0xA;
	s2 =	sadd.s32 s3, s2  }
0x8d: {  	s2 =	sadd.s32 s2, s16  }
0x8e: {  	[smem:$0x3FC1] =	sst s2  }
0x8f: {  	_ = 	snop  }
0x90: {  	(tm) =	ssettm $0x1  }
0x91: {  	s17 =	sld [smem:$0x3FFB];
	_ =	sdelay $0x3  }
0x92: {  	_ =	strace s17  }
0x93: {  	s2 =	sld [smem:$0x3FFC];
	_ =	sdelay $0x3  }
0x94: {  	_ =	strace s2  }
0x95: {  	s2 =	sld [smem:$0x3FFD];
	_ =	sdelay $0x3  }
0x96: {  	_ =	strace s2  }
0x97: {  	_ =	strace $0x8FFFFFFF  }
0x98: {  	s18 =	sld [smem:$0x3FDB];
	_ =	sdelay $0x1  }
0x99: {  	s19 =	simm.s32 $_scs_section_size  }
0x9a: {  	s4 =	simm.s32 $_size__tile_overlayer_lowered;
	s5 =	simm.s32 $_tile_overlayer_lowered  }
0x9b: {  	s22 =	simm.s32 $0x1BFF;
	s21 =	sshll.u32 s5, $0x1;
	s2 =	sadd.s32 s19, s18  }
0x9c: {  	s6 =	simm.s32 $0x0;
	s20 =	sshll.u32 s4, $0x1;
	s4 =	sadd.s32 s21, s2  }
0x9d: {  	[timem:s6], [sflag:s22] =	dma.local [hbm:s4], s20  }
0x9e: {  	_ =	swait.ge [sflag:s22], s20  }
0x9f: {  	s3 =	ssub.s32 $0x0, s20;
	[sflag:s22] =	ssyncset.done $0x0  }
0xa0: {  	[sflag:s22] =	ssyncadd.s32 s3;
	_ =	sdelay $0x1  }
0xa1: {  	s23 =	simm.s32 $0x1B8B  }
0xa2: {  	_ =	swait.ge [sflag:s23], $0x1  }
0xa3: {  	[sflag:s23] =	ssyncset.done $0x0  }
0xa4: {  	s25 =	simm.s32 $0x1B8E;
	s24 =	sld [smem:$0x3FFE];
	[sflag:s23] =	ssyncadd.s32 $0xFFFFFFFF  }
0xa5: {  	s26 =	simm.s32 $execute0_lowered;
	[smem:$0x3FD2] =	sst s25  }
0xa6: {  	s4 =	sshll.u32 s26, $0x1;
	_ =	strace $0x80000046;
	[dreg:$0x1] =	wrdreg $0xFFFFFFFF  }
0xa7: {  	s28 =	simm.s32 $_size_execute0_lowered;
	s2 =	sadd.s32 s2, s4;
	[dreg:$0x0] =	wrdreg $0x0  }
0xa8: {  	s4 =	sshll.u32 s28, $0x1;
	[dreg:$0x2] =	wrdreg s2  }
0xa9: {  	[dreg:$0x3] =	wrdreg s4  }
0xaa: {  	[dreg:$0x4] =	wrdreg $0xC0  }
0xab: {  	_ =	task [dreg:s6], $0x5FFFF  }
0xac: {  	[dreg:$0x1] =	wrdreg $0xFFFFFFFF  }
0xad: {  	[dreg:$0x0] =	wrdreg $0x60  }
0xae: {  	[dreg:$0x2] =	wrdreg s24  }
0xaf: {  	[dreg:$0x3] =	wrdreg $0x9  }
0xb0: {  	_ =	task.clear_ibuf [dreg:s6], $0x4FFFF;
	_ =	strace $0x90000046  }
0xb1: {  	s29 =	simm.s32 $0x9;
	_ =	strace $0x80000048  }
0xb2: {  	_ =	swait.ge [sflag:s29], $0x1  }
0xb3: {  	[sflag:s29] =	ssyncadd.s32 $0xFFFFFFFF  }
0xb4: {  	_ =	strace $0x90000048  }
0xb5: {  	_ =	sfence  }
0xb6: {  	s30 =	sld [smem:$0x0];
	_ =	sdelay $0x2  }
0xb7: {  	s31 =	sshll.u32 s1, $0xD;
	s1 =	sshrl.u32 s1, $0x2  }
0xb8: {  	s3 =	sand.u32 $0x4000, s31;
	s1 =	sadd.s32 s1, s30  }
0xb9: {  	s0 =	sor.u32 s3, s0;
	s1 =	sshll.u32 s1, $0x11  }
0xba: {  	s0 =	sor.u32 s1, s0  }
0xbb: {  	s0 =	sadd.s32 $0x8F2B, s0  }
0xbc: {  	[sflag:s0] =	ssyncadd.remote.s32 $0x1  }
0xbd: {  	_ =	sfence.sel $0xFFFF  }
0xbe: {  	[dreg:$0x0] =	wrdreg $0xFFFFFFFF;
	(pc) =	sbr.abs _section_cstart, $3  }
0xbf: {  	[dreg:$0x1] =	wrdreg $0xFFFFFFFF  }
0xc0: {  	_ =	task.clear_ibuf [dreg:s6], $0x2FFFF;
	_ =	strace $0x9FFFFFFF  }
0xc1: {  	(tm) =	ssettm $0x7FFFFFFF  }
tec
execute0_lowered:
.L_overlay_start_1:
0x0: {  	(tag) =	ssettag $0x1  }
0x1: {  	s0 =	rddreg [dreg:$0x0];
	s1 =	srdreg.scid;
	s2 =	simm.s32 $0x0  }
0x2: {  	s22 =	simm.s32 $0x1;
	s24 =	simm.s32 $0x2;
	s25 =	simm.s32 $0xC100  }
0x3: {  	s26 =	simm.s32 $0x3;
	s28 =	simm.s32 $0x10180;
	s29 =	simm.s32 $0x0  }
0x4: {  	s4 =	sand.u32 $0x1, s1;
	[smem:$0x7FF] =	sst s2;
	s1 =	stileid.u32  }
0x5: {  	s7 =	sadd.s32 $0x2E00, s0;
	s8 =	sadd.s32 $0x3200, s0;
	s9 =	sadd.s32 $0x3600, s0  }
0x6: {  	s10 =	sadd.s32 $0x3A00, s0;
	s11 =	sadd.s32 $0x3E00, s0;
	s12 =	sadd.s32 $0x4200, s0  }
0x7: {  	s13 =	sadd.s32 $0x4600, s0;
	s14 =	sadd.s32 $0x4A00, s0;
	s15 =	sadd.s32 $0x4E00, s0  }
0x8: {  	s16 =	sadd.s32 $0x5200, s0;
	s17 =	sadd.s32 $0x5600, s0;
	s18 =	sadd.s32 $0x5A00, s0  }
0x9: {  	s3 =	sshll.u32 s4, $0x4;
	_ =	strace $0x80000047;
	s4 =	ssub.s32 $0x2, s4  }
0xa: {  	s23 =	sor.u32 s1, s3;
	s3 =	sadd.s32 $0x1E00, s0;
	s6 =	sshrl.u32 s4, $0x1  }
0xb: {  	s5 =	sshll.u32 s23, $0xB;
	s31 =	sshll.u32 s23, $0x4;
	s21 =	ssub.s32 s4, s6  }
0xc: {  	s4 =	sadd.s32 $0x2200, s0;
	s6 =	sadd.s32 $0x2A00, s0;
	v0 =	vmov s23;
	s23 =	simm.s32 $0x2000  }
0xd: {  	s19 =	sadd.s32 s5, s0;
	s20 =	sadd.s32 s31, s0;
	s5 =	sadd.s32 $0x2600, s0  }
0xe: {  	v1 =	vimm.f32 $0.0e+00;
	v2 =	vimm.s32 $0x0;
	v3 =	vimm.s32 $0x2710;
	s21 =	smax.u32 s21, $0x1;
	s19 =	sadd.s32 $0x2D200, s19;
	s20 =	sadd.s32 $0x2D000, s20  }
.LBB2_1:
0xf: {  	s30 =	simm.s32 $0x0;
	s31 =	simm.s32 $0x200  }
.LBB2_2:
0x10: {  	p0 =	sne.s32 s31, $0xFE00;
	[tilespmem:s30+$0xC170] =	vst v1  }
0x11: {  	[tilespmem:s30+$0xC100] =	vst v1  }
0x12: {  	[tilespmem:s30+$0xC110] =	vst v1  }
.Ltmp0:
0x13: {  	[tilespmem:s30+$0xC120] =	vst v1;
	(pc) =	sbr.rel @p0 .LBB2_2-.Ltmp0, $4  }
0x14: {  	[tilespmem:s30+$0xC130] =	vst v1  }
0x15: {  	[tilespmem:s30+$0xC140] =	vst v1  }
0x16: {  	[tilespmem:s30+$0xC150] =	vst v1  }
0x17: {  	[tilespmem:s30+$0xC160] =	vst v1;
	s30 =	sshra.s32 s31, $0x2;
	s31 =	sadd.s32 $0x200, s31  }
0x18: {  	[tilespmem:s30+$0xC170] =	vst v1  }
0x19: {  	[tilespmem:s30+$0xC100] =	vst v1  }
0x1a: {  	[tilespmem:s30+$0xC110] =	vst v1  }
0x1b: {  	[tilespmem:s30+$0xC120] =	vst v1  }
0x1c: {  	[tilespmem:s30+$0xC130] =	vst v1  }
0x1d: {  	[tilespmem:s30+$0xC140] =	vst v1  }
0x1e: {  	[tilespmem:s30+$0xC150] =	vst v1  }
0x1f: {  	[tilespmem:s30+$0xC160] =	vst v1  }
0x20: {  	[tilespmem:$0x10100] =	vst v2  }
0x21: {  	[tilespmem:$0x10180] =	vst v1  }
0x22: {  	[tilespmem:$0x10110] =	vst v2  }
0x23: {  	[tilespmem:$0x10190] =	vst v1  }
0x24: {  	[tilespmem:$0x10120] =	vst v2  }
0x25: {  	[tilespmem:$0x101A0] =	vst v1  }
0x26: {  	[tilespmem:$0x10130] =	vst v2  }
0x27: {  	[tilespmem:$0x101B0] =	vst v1  }
0x28: {  	[tilespmem:$0x10140] =	vst v2  }
0x29: {  	[tilespmem:$0x101C0] =	vst v1  }
0x2a: {  	[tilespmem:$0x10150] =	vst v2  }
0x2b: {  	[tilespmem:$0x101D0] =	vst v1  }
0x2c: {  	[tilespmem:$0x10160] =	vst v2  }
0x2d: {  	[tilespmem:$0x101E0] =	vst v1  }
0x2e: {  	[tilespmem:$0x10170] =	vst v2  }
0x2f: {  	[tilespmem:$0x101F0] =	vst v1  }
0x30: {  	s30 =	simm.s32 $0x0;
	[tilespmem:$0xC080] =	vst v3  }
0x31: {  	[tilespmem:s30], [sflag:$0x1] =	stream.linear.gather [hbm4b:s3+s30], $0x2000, $0x38;
	[tilespmem:$0x10200] =	vst v63  }
0x32: {  	_ =	swait.ge [sflag:s22], $0x2000  }
0x33: {  	[sflag:s22] =	ssyncset.done $0x0  }
0x34: {  	s0 =	simm.s32 $0x0;
	[sflag:s22] =	ssyncadd.s32 $0xFFFFE000  }
0x35: {  	[tilespmem:s23], [sflag:$0x2] =	stream.linear.gather [hbm4b:s4+s30], $0x2000, $0x38;
	[tilespmem:$0x10200] =	vst v63  }
0x36: {  	v4 =	vld [tilespmem:s0+$0x0];
	_ =	sdelay $0x4  }
0x37: {  	v5 =	vshrl.u32 v4, $0x15  }
0x38: {  	vm0 =	veq.s32 v5, v0  }
0x39: {  	v5 =	vmpcnt.ones.xlane vm0;
	_ =	sdelay $0x1  }
0x3a: {  	(v2sf) =	vpush v5, $0x0;
	_ =	sdelay $0x5  }
0x3b: {  	s31 =	simm.s32 $0x80;
	s0 =	simm.s32 $0x10;
	[tilespmem:s30+$0x4000] =	vst.msk vm0, v4  }
.LBB2_4:
0x3c: {  	p0 =	sne.s32 s31, $0x7FC0;
	v4 =	vld [tilespmem:s0+$0x0];
	_ =	sdelay $0x4  }
0x3d: {  	v5 =	vshrl.u32 v4, $0x15  }
0x3e: {  	vm0 =	veq.s32 v5, v0  }
0x3f: {  	v5 =	vmpcnt.ones.xlane vm0  }
0x40: {  	s0 =	spop (v2sf)  }
0x41: {  	(v2sf) =	vpush v5, $0x0;
	s30 =	sadd.s32 s30, s0  }
0x42: {  	[tilespmem:s30+$0x4000] =	vst.msk vm0, v4  }
.Ltmp1:
0x43: {  	(pc) =	sbr.rel @p0 .LBB2_4-.Ltmp1, $2  }
0x44: {  	_ =	sdelay $0x2  }
0x45: {  	s0 =	sshra.s32 s31, $0x2;
	s31 =	sadd.s32 $0x40, s31  }
0x46: {  	v4 =	vld [tilespmem:s0+$0x0];
	_ =	sdelay $0x4  }
0x47: {  	v5 =	vshrl.u32 v4, $0x15  }
0x48: {  	vm0 =	veq.s32 v5, v0  }
0x49: {  	v5 =	vmpcnt.ones.xlane vm0;
	_ =	sdelay $0x1  }
0x4a: {  	(v2sf) =	vpush v5, $0x0;
	_ =	sdelay $0xc  }
0x4b: {  	s0 =	spop (v2sf)  }
0x4c: {  	s0 =	sadd.s32 s30, s0  }
0x4d: {  	[tilespmem:s0+$0x4000] =	vst.msk vm0, v4;
	s30 =	spop (v2sf)  }
0x4e: {  	_ =	swait.ge [sflag:s24], $0x2000  }
0x4f: {  	[sflag:s24] =	ssyncset.done $0x0  }
0x50: {  	s31 =	simm.s32 $0x0;
	[sflag:s24] =	ssyncadd.s32 $0xFFFFE000  }
0x51: {  	[tilespmem:s31], [sflag:$0x1] =	stream.linear.gather [hbm4b:s5+s31], $0x2000, $0x38;
	[tilespmem:$0x10200] =	vst v63  }
0x52: {  	s31 =	simm.s32 $0x0  }
0x53: {  	v4 =	vld [tilespmem:s31+$0x2000];
	_ =	sdelay $0x4  }
0x54: {  	v5 =	vshrl.u32 v4, $0x15  }
0x55: {  	vm15 =	veq.s32 v5, v0  }
0x56: {  	v5 =	vmpcnt.ones.xlane vm15;
	_ =	sdelay $0x1  }
0x57: {  	(v2sf) =	vpush v5, $0x0;
	_ =	sdelay $0x2  }
0x58: {  	s30 =	sadd.s32 s0, s30  }
0x59: {  	p0 =	sgt.s32 s30, $0x1FFF  }
0x5a: {  	s30 =	simm.s32 @p0 $0x0  }
0x5b: {  	s0 =	simm.s32 $0x10;
	s31 =	simm.s32 $0x80;
	[tilespmem:s30+$0x4000] =	vst.msk vm15, v4  }
.LBB2_6:
0x5c: {  	p0 =	sne.s32 s31, $0x7FC0;
	v4 =	vld [tilespmem:s0+$0x2000];
	_ =	sdelay $0x4  }
0x5d: {  	v5 =	vshrl.u32 v4, $0x15  }
0x5e: {  	vm0 =	veq.s32 v5, v0  }
0x5f: {  	v5 =	vmpcnt.ones.xlane vm0  }
0x60: {  	s0 =	spop (v2sf)  }
0x61: {  	(v2sf) =	vpush v5, $0x0;
	s30 =	sadd.s32 s30, s0  }
0x62: {  	[tilespmem:s30+$0x4000] =	vst.msk vm0, v4  }
.Ltmp2:
0x63: {  	(pc) =	sbr.rel @p0 .LBB2_6-.Ltmp2, $2  }
0x64: {  	_ =	sdelay $0x2  }
0x65: {  	s0 =	sshra.s32 s31, $0x2;
	s31 =	sadd.s32 $0x40, s31  }
0x66: {  	v4 =	vld [tilespmem:s0+$0x2000];
	_ =	sdelay $0x4  }
0x67: {  	v5 =	vshrl.u32 v4, $0x15  }
0x68: {  	vm0 =	veq.s32 v5, v0  }
0x69: {  	v5 =	vmpcnt.ones.xlane vm0;
	_ =	sdelay $0x1  }
0x6a: {  	(v2sf) =	vpush v5, $0x0;
	_ =	sdelay $0xc  }
0x6b: {  	s0 =	spop (v2sf)  }
0x6c: {  	s0 =	sadd.s32 s30, s0  }
0x6d: {  	[tilespmem:s0+$0x4000] =	vst.msk vm0, v4;
	s30 =	spop (v2sf)  }
0x6e: {  	_ =	swait.ge [sflag:s22], $0x2000  }
0x6f: {  	[sflag:s22] =	ssyncset.done $0x0  }
0x70: {  	s31 =	simm.s32 $0x0;
	[sflag:s22] =	ssyncadd.s32 $0xFFFFE000  }
0x71: {  	[tilespmem:s23], [sflag:$0x2] =	stream.linear.gather [hbm4b:s6+s31], $0x2000, $0x38;
	[tilespmem:$0x10200] =	vst v63  }
0x72: {  	s31 =	simm.s32 $0x0  }
0x73: {  	v4 =	vld [tilespmem:s31+$0x0];
	_ =	sdelay $0x4  }
0x74: {  	v5 =	vshrl.u32 v4, $0x15  }
0x75: {  	vm15 =	veq.s32 v5, v0  }
0x76: {  	v5 =	vmpcnt.ones.xlane vm15;
	_ =	sdelay $0x1  }
0x77: {  	(v2sf) =	vpush v5, $0x0;
	_ =	sdelay $0x2  }
0x78: {  	s30 =	sadd.s32 s0, s30  }
0x79: {  	p0 =	sgt.s32 s30, $0x1FFF  }
0x7a: {  	s30 =	simm.s32 @p0 $0x0  }
0x7b: {  	s0 =	simm.s32 $0x10;
	s31 =	simm.s32 $0x80;
	[tilespmem:s30+$0x4000] =	vst.msk vm15, v4  }
.LBB2_8:
0x7c: {  	p0 =	sne.s32 s31, $0x7FC0;
	v4 =	vld [tilespmem:s0+$0x0];
	_ =	sdelay $0x4  }
0x7d: {  	v5 =	vshrl.u32 v4, $0x15  }
0x7e: {  	vm0 =	veq.s32 v5, v0  }
0x7f: {  	v5 =	vmpcnt.ones.xlane vm0  }
0x80: {  	s0 =	spop (v2sf)  }
0x81: {  	(v2sf) =	vpush v5, $0x0;
	s30 =	sadd.s32 s30, s0  }
0x82: {  	[tilespmem:s30+$0x4000] =	vst.msk vm0, v4  }
.Ltmp3:
0x83: {  	(pc) =	sbr.rel @p0 .LBB2_8-.Ltmp3, $2  }
0x84: {  	_ =	sdelay $0x2  }
0x85: {  	s0 =	sshra.s32 s31, $0x2;
	s31 =	sadd.s32 $0x40, s31  }
0x86: {  	v4 =	vld [tilespmem:s0+$0x0];
	_ =	sdelay $0x4  }
0x87: {  	v5 =	vshrl.u32 v4, $0x15  }
0x88: {  	vm0 =	veq.s32 v5, v0  }
0x89: {  	v5 =	vmpcnt.ones.xlane vm0;
	_ =	sdelay $0x1  }
0x8a: {  	(v2sf) =	vpush v5, $0x0;
	_ =	sdelay $0xc  }
0x8b: {  	s0 =	spop (v2sf)  }
0x8c: {  	s0 =	sadd.s32 s30, s0  }
0x8d: {  	[tilespmem:s0+$0x4000] =	vst.msk vm0, v4;
	s30 =	spop (v2sf)  }
0x8e: {  	_ =	swait.ge [sflag:s24], $0x2000  }
0x8f: {  	[sflag:s24] =	ssyncset.done $0x0  }
0x90: {  	s31 =	simm.s32 $0x0;
	[sflag:s24] =	ssyncadd.s32 $0xFFFFE000  }
0x91: {  	[tilespmem:s31], [sflag:$0x1] =	stream.linear.gather [hbm4b:s7+s31], $0x2000, $0x38;
	[tilespmem:$0x10200] =	vst v63  }
0x92: {  	s31 =	simm.s32 $0x0  }
0x93: {  	v4 =	vld [tilespmem:s31+$0x2000];
	_ =	sdelay $0x4  }
0x94: {  	v5 =	vshrl.u32 v4, $0x15  }
0x95: {  	vm15 =	veq.s32 v5, v0  }
0x96: {  	v5 =	vmpcnt.ones.xlane vm15;
	_ =	sdelay $0x1  }
0x97: {  	(v2sf) =	vpush v5, $0x0;
	_ =	sdelay $0x2  }
0x98: {  	s30 =	sadd.s32 s0, s30  }
0x99: {  	p0 =	sgt.s32 s30, $0x1FFF  }
0x9a: {  	s30 =	simm.s32 @p0 $0x0  }
0x9b: {  	s0 =	simm.s32 $0x10;
	s31 =	simm.s32 $0x80;
	[tilespmem:s30+$0x4000] =	vst.msk vm15, v4  }
.LBB2_10:
0x9c: {  	p0 =	sne.s32 s31, $0x7FC0;
	v4 =	vld [tilespmem:s0+$0x2000];
	_ =	sdelay $0x4  }
0x9d: {  	v5 =	vshrl.u32 v4, $0x15  }
0x9e: {  	vm0 =	veq.s32 v5, v0  }
0x9f: {  	v5 =	vmpcnt.ones.xlane vm0  }
0xa0: {  	s0 =	spop (v2sf)  }
0xa1: {  	(v2sf) =	vpush v5, $0x0;
	s30 =	sadd.s32 s30, s0  }
0xa2: {  	[tilespmem:s30+$0x4000] =	vst.msk vm0, v4  }
.Ltmp4:
0xa3: {  	(pc) =	sbr.rel @p0 .LBB2_10-.Ltmp4, $2  }
0xa4: {  	_ =	sdelay $0x2  }
0xa5: {  	s0 =	sshra.s32 s31, $0x2;
	s31 =	sadd.s32 $0x40, s31  }
0xa6: {  	v4 =	vld [tilespmem:s0+$0x2000];
	_ =	sdelay $0x4  }
0xa7: {  	v5 =	vshrl.u32 v4, $0x15  }
0xa8: {  	vm0 =	veq.s32 v5, v0  }
0xa9: {  	v5 =	vmpcnt.ones.xlane vm0;
	_ =	sdelay $0x1  }
0xaa: {  	(v2sf) =	vpush v5, $0x0;
	_ =	sdelay $0xc  }
0xab: {  	s0 =	spop (v2sf)  }
0xac: {  	s0 =	sadd.s32 s30, s0  }
0xad: {  	[tilespmem:s0+$0x4000] =	vst.msk vm0, v4;
	s30 =	spop (v2sf)  }
0xae: {  	_ =	swait.ge [sflag:s22], $0x2000  }
0xaf: {  	[sflag:s22] =	ssyncset.done $0x0  }
0xb0: {  	s31 =	simm.s32 $0x0;
	[sflag:s22] =	ssyncadd.s32 $0xFFFFE000  }
0xb1: {  	[tilespmem:s23], [sflag:$0x2] =	stream.linear.gather [hbm4b:s8+s31], $0x2000, $0x38;
	[tilespmem:$0x10200] =	vst v63  }
0xb2: {  	s31 =	simm.s32 $0x0  }
0xb3: {  	v4 =	vld [tilespmem:s31+$0x0];
	_ =	sdelay $0x4  }
0xb4: {  	v5 =	vshrl.u32 v4, $0x15  }
0xb5: {  	vm15 =	veq.s32 v5, v0  }
0xb6: {  	v5 =	vmpcnt.ones.xlane vm15;
	_ =	sdelay $0x1  }
0xb7: {  	(v2sf) =	vpush v5, $0x0;
	_ =	sdelay $0x2  }
0xb8: {  	s30 =	sadd.s32 s0, s30  }
0xb9: {  	p0 =	sgt.s32 s30, $0x1FFF  }
0xba: {  	s30 =	simm.s32 @p0 $0x0  }
0xbb: {  	s0 =	simm.s32 $0x10;
	s31 =	simm.s32 $0x80;
	[tilespmem:s30+$0x4000] =	vst.msk vm15, v4  }
.LBB2_12:
0xbc: {  	p0 =	sne.s32 s31, $0x7FC0;
	v4 =	vld [tilespmem:s0+$0x0];
	_ =	sdelay $0x4  }
0xbd: {  	v5 =	vshrl.u32 v4, $0x15  }
0xbe: {  	vm0 =	veq.s32 v5, v0  }
0xbf: {  	v5 =	vmpcnt.ones.xlane vm0  }
0xc0: {  	s0 =	spop (v2sf)  }
0xc1: {  	(v2sf) =	vpush v5, $0x0;
	s30 =	sadd.s32 s30, s0  }
0xc2: {  	[tilespmem:s30+$0x4000] =	vst.msk vm0, v4  }
.Ltmp5:
0xc3: {  	(pc) =	sbr.rel @p0 .LBB2_12-.Ltmp5, $2  }
0xc4: {  	_ =	sdelay $0x2  }
0xc5: {  	s0 =	sshra.s32 s31, $0x2;
	s31 =	sadd.s32 $0x40, s31  }
0xc6: {  	v4 =	vld [tilespmem:s0+$0x0];
	_ =	sdelay $0x4  }
0xc7: {  	v5 =	vshrl.u32 v4, $0x15  }
0xc8: {  	vm0 =	veq.s32 v5, v0  }
0xc9: {  	v5 =	vmpcnt.ones.xlane vm0;
	_ =	sdelay $0x1  }
0xca: {  	(v2sf) =	vpush v5, $0x0;
	_ =	sdelay $0xc  }
0xcb: {  	s0 =	spop (v2sf)  }
0xcc: {  	s0 =	sadd.s32 s30, s0  }
0xcd: {  	[tilespmem:s0+$0x4000] =	vst.msk vm0, v4;
	s30 =	spop (v2sf)  }
0xce: {  	_ =	swait.ge [sflag:s24], $0x2000  }
0xcf: {  	[sflag:s24] =	ssyncset.done $0x0  }
0xd0: {  	s31 =	simm.s32 $0x0;
	[sflag:s24] =	ssyncadd.s32 $0xFFFFE000  }
0xd1: {  	[tilespmem:s31], [sflag:$0x1] =	stream.linear.gather [hbm4b:s9+s31], $0x2000, $0x38;
	[tilespmem:$0x10200] =	vst v63  }
0xd2: {  	s31 =	simm.s32 $0x0  }
0xd3: {  	v4 =	vld [tilespmem:s31+$0x2000];
	_ =	sdelay $0x4  }
0xd4: {  	v5 =	vshrl.u32 v4, $0x15  }
0xd5: {  	vm15 =	veq.s32 v5, v0  }
0xd6: {  	v5 =	vmpcnt.ones.xlane vm15;
	_ =	sdelay $0x1  }
0xd7: {  	(v2sf) =	vpush v5, $0x0;
	_ =	sdelay $0x2  }
0xd8: {  	s30 =	sadd.s32 s0, s30  }
0xd9: {  	p0 =	sgt.s32 s30, $0x1FFF  }
0xda: {  	s30 =	simm.s32 @p0 $0x0  }
0xdb: {  	s0 =	simm.s32 $0x10;
	s31 =	simm.s32 $0x80;
	[tilespmem:s30+$0x4000] =	vst.msk vm15, v4  }
.LBB2_14:
0xdc: {  	p0 =	sne.s32 s31, $0x7FC0;
	v4 =	vld [tilespmem:s0+$0x2000];
	_ =	sdelay $0x4  }
0xdd: {  	v5 =	vshrl.u32 v4, $0x15  }
0xde: {  	vm0 =	veq.s32 v5, v0  }
0xdf: {  	v5 =	vmpcnt.ones.xlane vm0  }
0xe0: {  	s0 =	spop (v2sf)  }
0xe1: {  	(v2sf) =	vpush v5, $0x0;
	s30 =	sadd.s32 s30, s0  }
0xe2: {  	[tilespmem:s30+$0x4000] =	vst.msk vm0, v4  }
.Ltmp6:
0xe3: {  	(pc) =	sbr.rel @p0 .LBB2_14-.Ltmp6, $2  }
0xe4: {  	_ =	sdelay $0x2  }
0xe5: {  	s0 =	sshra.s32 s31, $0x2;
	s31 =	sadd.s32 $0x40, s31  }
0xe6: {  	v4 =	vld [tilespmem:s0+$0x2000];
	_ =	sdelay $0x4  }
0xe7: {  	v5 =	vshrl.u32 v4, $0x15  }
0xe8: {  	vm0 =	veq.s32 v5, v0  }
0xe9: {  	v5 =	vmpcnt.ones.xlane vm0;
	_ =	sdelay $0x1  }
0xea: {  	(v2sf) =	vpush v5, $0x0;
	_ =	sdelay $0xc  }
0xeb: {  	s0 =	spop (v2sf)  }
0xec: {  	s0 =	sadd.s32 s30, s0  }
0xed: {  	[tilespmem:s0+$0x4000] =	vst.msk vm0, v4;
	s30 =	spop (v2sf)  }
0xee: {  	_ =	swait.ge [sflag:s22], $0x2000  }
0xef: {  	[sflag:s22] =	ssyncset.done $0x0  }
0xf0: {  	s31 =	simm.s32 $0x0;
	[sflag:s22] =	ssyncadd.s32 $0xFFFFE000  }
0xf1: {  	[tilespmem:s23], [sflag:$0x2] =	stream.linear.gather [hbm4b:s10+s31], $0x2000, $0x38;
	[tilespmem:$0x10200] =	vst v63  }
0xf2: {  	s31 =	simm.s32 $0x0  }
0xf3: {  	v4 =	vld [tilespmem:s31+$0x0];
	_ =	sdelay $0x4  }
0xf4: {  	v5 =	vshrl.u32 v4, $0x15  }
0xf5: {  	vm15 =	veq.s32 v5, v0  }
0xf6: {  	v5 =	vmpcnt.ones.xlane vm15;
	_ =	sdelay $0x1  }
0xf7: {  	(v2sf) =	vpush v5, $0x0;
	_ =	sdelay $0x2  }
0xf8: {  	s30 =	sadd.s32 s0, s30  }
0xf9: {  	p0 =	sgt.s32 s30, $0x1FFF  }
0xfa: {  	s30 =	simm.s32 @p0 $0x0  }
0xfb: {  	s0 =	simm.s32 $0x10;
	s31 =	simm.s32 $0x80;
	[tilespmem:s30+$0x4000] =	vst.msk vm15, v4  }
.LBB2_16:
0xfc: {  	p0 =	sne.s32 s31, $0x7FC0;
	v4 =	vld [tilespmem:s0+$0x0];
	_ =	sdelay $0x4  }
0xfd: {  	v5 =	vshrl.u32 v4, $0x15  }
0xfe: {  	vm0 =	veq.s32 v5, v0  }
0xff: {  	v5 =	vmpcnt.ones.xlane vm0  }
0x100: {  	s0 =	spop (v2sf)  }
0x101: {  	(v2sf) =	vpush v5, $0x0;
	s30 =	sadd.s32 s30, s0  }
0x102: {  	[tilespmem:s30+$0x4000] =	vst.msk vm0, v4  }
.Ltmp7:
0x103: {  	(pc) =	sbr.rel @p0 .LBB2_16-.Ltmp7, $2  }
0x104: {  	_ =	sdelay $0x2  }
0x105: {  	s0 =	sshra.s32 s31, $0x2;
	s31 =	sadd.s32 $0x40, s31  }
0x106: {  	v4 =	vld [tilespmem:s0+$0x0];
	_ =	sdelay $0x4  }
0x107: {  	v5 =	vshrl.u32 v4, $0x15  }
0x108: {  	vm0 =	veq.s32 v5, v0  }
0x109: {  	v5 =	vmpcnt.ones.xlane vm0;
	_ =	sdelay $0x1  }
0x10a: {  	(v2sf) =	vpush v5, $0x0;
	_ =	sdelay $0xc  }
0x10b: {  	s0 =	spop (v2sf)  }
0x10c: {  	s0 =	sadd.s32 s30, s0  }
0x10d: {  	[tilespmem:s0+$0x4000] =	vst.msk vm0, v4;
	s30 =	spop (v2sf)  }
0x10e: {  	_ =	swait.ge [sflag:s24], $0x2000  }
0x10f: {  	[sflag:s24] =	ssyncset.done $0x0  }
0x110: {  	s31 =	simm.s32 $0x0;
	[sflag:s24] =	ssyncadd.s32 $0xFFFFE000  }
0x111: {  	[tilespmem:s31], [sflag:$0x1] =	stream.linear.gather [hbm4b:s11+s31], $0x2000, $0x38;
	[tilespmem:$0x10200] =	vst v63  }
0x112: {  	s31 =	simm.s32 $0x0  }
0x113: {  	v4 =	vld [tilespmem:s31+$0x2000];
	_ =	sdelay $0x4  }
0x114: {  	v5 =	vshrl.u32 v4, $0x15  }
0x115: {  	vm15 =	veq.s32 v5, v0  }
0x116: {  	v5 =	vmpcnt.ones.xlane vm15;
	_ =	sdelay $0x1  }
0x117: {  	(v2sf) =	vpush v5, $0x0;
	_ =	sdelay $0x2  }
0x118: {  	s30 =	sadd.s32 s0, s30  }
0x119: {  	p0 =	sgt.s32 s30, $0x1FFF  }
0x11a: {  	s30 =	simm.s32 @p0 $0x0  }
0x11b: {  	s0 =	simm.s32 $0x10;
	s31 =	simm.s32 $0x80;
	[tilespmem:s30+$0x4000] =	vst.msk vm15, v4  }
.LBB2_18:
0x11c: {  	p0 =	sne.s32 s31, $0x7FC0;
	v4 =	vld [tilespmem:s0+$0x2000];
	_ =	sdelay $0x4  }
0x11d: {  	v5 =	vshrl.u32 v4, $0x15  }
0x11e: {  	vm0 =	veq.s32 v5, v0  }
0x11f: {  	v5 =	vmpcnt.ones.xlane vm0  }
0x120: {  	s0 =	spop (v2sf)  }
0x121: {  	(v2sf) =	vpush v5, $0x0;
	s30 =	sadd.s32 s30, s0  }
0x122: {  	[tilespmem:s30+$0x4000] =	vst.msk vm0, v4  }
.Ltmp8:
0x123: {  	(pc) =	sbr.rel @p0 .LBB2_18-.Ltmp8, $2  }
0x124: {  	_ =	sdelay $0x2  }
0x125: {  	s0 =	sshra.s32 s31, $0x2;
	s31 =	sadd.s32 $0x40, s31  }
0x126: {  	v4 =	vld [tilespmem:s0+$0x2000];
	_ =	sdelay $0x4  }
0x127: {  	v5 =	vshrl.u32 v4, $0x15  }
0x128: {  	vm0 =	veq.s32 v5, v0  }
0x129: {  	v5 =	vmpcnt.ones.xlane vm0;
	_ =	sdelay $0x1  }
0x12a: {  	(v2sf) =	vpush v5, $0x0;
	_ =	sdelay $0xc  }
0x12b: {  	s0 =	spop (v2sf)  }
0x12c: {  	s0 =	sadd.s32 s30, s0  }
0x12d: {  	[tilespmem:s0+$0x4000] =	vst.msk vm0, v4;
	s30 =	spop (v2sf)  }
0x12e: {  	_ =	swait.ge [sflag:s22], $0x2000  }
0x12f: {  	[sflag:s22] =	ssyncset.done $0x0  }
0x130: {  	s31 =	simm.s32 $0x0;
	[sflag:s22] =	ssyncadd.s32 $0xFFFFE000  }
0x131: {  	[tilespmem:s23], [sflag:$0x2] =	stream.linear.gather [hbm4b:s12+s31], $0x2000, $0x38;
	[tilespmem:$0x10200] =	vst v63  }
0x132: {  	s31 =	simm.s32 $0x0  }
0x133: {  	v4 =	vld [tilespmem:s31+$0x0];
	_ =	sdelay $0x4  }
0x134: {  	v5 =	vshrl.u32 v4, $0x15  }
0x135: {  	vm15 =	veq.s32 v5, v0  }
0x136: {  	v5 =	vmpcnt.ones.xlane vm15;
	_ =	sdelay $0x1  }
0x137: {  	(v2sf) =	vpush v5, $0x0;
	_ =	sdelay $0x2  }
0x138: {  	s30 =	sadd.s32 s0, s30  }
0x139: {  	p0 =	sgt.s32 s30, $0x1FFF  }
0x13a: {  	s30 =	simm.s32 @p0 $0x0  }
0x13b: {  	s0 =	simm.s32 $0x10;
	s31 =	simm.s32 $0x80;
	[tilespmem:s30+$0x4000] =	vst.msk vm15, v4  }
.LBB2_20:
0x13c: {  	p0 =	sne.s32 s31, $0x7FC0;
	v4 =	vld [tilespmem:s0+$0x0];
	_ =	sdelay $0x4  }
0x13d: {  	v5 =	vshrl.u32 v4, $0x15  }
0x13e: {  	vm0 =	veq.s32 v5, v0  }
0x13f: {  	v5 =	vmpcnt.ones.xlane vm0  }
0x140: {  	s0 =	spop (v2sf)  }
0x141: {  	(v2sf) =	vpush v5, $0x0;
	s30 =	sadd.s32 s30, s0  }
0x142: {  	[tilespmem:s30+$0x4000] =	vst.msk vm0, v4  }
.Ltmp9:
0x143: {  	(pc) =	sbr.rel @p0 .LBB2_20-.Ltmp9, $2  }
0x144: {  	_ =	sdelay $0x2  }
0x145: {  	s0 =	sshra.s32 s31, $0x2;
	s31 =	sadd.s32 $0x40, s31  }
0x146: {  	v4 =	vld [tilespmem:s0+$0x0];
	_ =	sdelay $0x4  }
0x147: {  	v5 =	vshrl.u32 v4, $0x15  }
0x148: {  	vm0 =	veq.s32 v5, v0  }
0x149: {  	v5 =	vmpcnt.ones.xlane vm0;
	_ =	sdelay $0x1  }
0x14a: {  	(v2sf) =	vpush v5, $0x0;
	_ =	sdelay $0xc  }
0x14b: {  	s0 =	spop (v2sf)  }
0x14c: {  	s0 =	sadd.s32 s30, s0  }
0x14d: {  	[tilespmem:s0+$0x4000] =	vst.msk vm0, v4;
	s30 =	spop (v2sf)  }
0x14e: {  	_ =	swait.ge [sflag:s24], $0x2000  }
0x14f: {  	[sflag:s24] =	ssyncset.done $0x0  }
0x150: {  	s31 =	simm.s32 $0x0;
	[sflag:s24] =	ssyncadd.s32 $0xFFFFE000  }
0x151: {  	[tilespmem:s31], [sflag:$0x1] =	stream.linear.gather [hbm4b:s13+s31], $0x2000, $0x38;
	[tilespmem:$0x10200] =	vst v63  }
0x152: {  	s31 =	simm.s32 $0x0  }
0x153: {  	v4 =	vld [tilespmem:s31+$0x2000];
	_ =	sdelay $0x4  }
0x154: {  	v5 =	vshrl.u32 v4, $0x15  }
0x155: {  	vm15 =	veq.s32 v5, v0  }
0x156: {  	v5 =	vmpcnt.ones.xlane vm15;
	_ =	sdelay $0x1  }
0x157: {  	(v2sf) =	vpush v5, $0x0;
	_ =	sdelay $0x2  }
0x158: {  	s30 =	sadd.s32 s0, s30  }
0x159: {  	p0 =	sgt.s32 s30, $0x1FFF  }
0x15a: {  	s30 =	simm.s32 @p0 $0x0  }
0x15b: {  	s0 =	simm.s32 $0x10;
	s31 =	simm.s32 $0x80;
	[tilespmem:s30+$0x4000] =	vst.msk vm15, v4  }
.LBB2_22:
0x15c: {  	p0 =	sne.s32 s31, $0x7FC0;
	v4 =	vld [tilespmem:s0+$0x2000];
	_ =	sdelay $0x4  }
0x15d: {  	v5 =	vshrl.u32 v4, $0x15  }
0x15e: {  	vm0 =	veq.s32 v5, v0  }
0x15f: {  	v5 =	vmpcnt.ones.xlane vm0  }
0x160: {  	s0 =	spop (v2sf)  }
0x161: {  	(v2sf) =	vpush v5, $0x0;
	s30 =	sadd.s32 s30, s0  }
0x162: {  	[tilespmem:s30+$0x4000] =	vst.msk vm0, v4  }
.Ltmp10:
0x163: {  	(pc) =	sbr.rel @p0 .LBB2_22-.Ltmp10, $2  }
0x164: {  	_ =	sdelay $0x2  }
0x165: {  	s0 =	sshra.s32 s31, $0x2;
	s31 =	sadd.s32 $0x40, s31  }
0x166: {  	v4 =	vld [tilespmem:s0+$0x2000];
	_ =	sdelay $0x4  }
0x167: {  	v5 =	vshrl.u32 v4, $0x15  }
0x168: {  	vm0 =	veq.s32 v5, v0  }
0x169: {  	v5 =	vmpcnt.ones.xlane vm0;
	_ =	sdelay $0x1  }
0x16a: {  	(v2sf) =	vpush v5, $0x0;
	_ =	sdelay $0xc  }
0x16b: {  	s0 =	spop (v2sf)  }
0x16c: {  	s0 =	sadd.s32 s30, s0  }
0x16d: {  	[tilespmem:s0+$0x4000] =	vst.msk vm0, v4;
	s30 =	spop (v2sf)  }
0x16e: {  	_ =	swait.ge [sflag:s22], $0x2000  }
0x16f: {  	[sflag:s22] =	ssyncset.done $0x0  }
0x170: {  	s31 =	simm.s32 $0x0;
	[sflag:s22] =	ssyncadd.s32 $0xFFFFE000  }
0x171: {  	[tilespmem:s23], [sflag:$0x2] =	stream.linear.gather [hbm4b:s14+s31], $0x2000, $0x38;
	[tilespmem:$0x10200] =	vst v63  }
0x172: {  	s31 =	simm.s32 $0x0  }
0x173: {  	v4 =	vld [tilespmem:s31+$0x0];
	_ =	sdelay $0x4  }
0x174: {  	v5 =	vshrl.u32 v4, $0x15  }
0x175: {  	vm15 =	veq.s32 v5, v0  }
0x176: {  	v5 =	vmpcnt.ones.xlane vm15;
	_ =	sdelay $0x1  }
0x177: {  	(v2sf) =	vpush v5, $0x0;
	_ =	sdelay $0x2  }
0x178: {  	s30 =	sadd.s32 s0, s30  }
0x179: {  	p0 =	sgt.s32 s30, $0x1FFF  }
0x17a: {  	s30 =	simm.s32 @p0 $0x0  }
0x17b: {  	s0 =	simm.s32 $0x10;
	s31 =	simm.s32 $0x80;
	[tilespmem:s30+$0x4000] =	vst.msk vm15, v4  }
.LBB2_24:
0x17c: {  	p0 =	sne.s32 s31, $0x7FC0;
	v4 =	vld [tilespmem:s0+$0x0];
	_ =	sdelay $0x4  }
0x17d: {  	v5 =	vshrl.u32 v4, $0x15  }
0x17e: {  	vm0 =	veq.s32 v5, v0  }
0x17f: {  	v5 =	vmpcnt.ones.xlane vm0  }
0x180: {  	s0 =	spop (v2sf)  }
0x181: {  	(v2sf) =	vpush v5, $0x0;
	s30 =	sadd.s32 s30, s0  }
0x182: {  	[tilespmem:s30+$0x4000] =	vst.msk vm0, v4  }
.Ltmp11:
0x183: {  	(pc) =	sbr.rel @p0 .LBB2_24-.Ltmp11, $2  }
0x184: {  	_ =	sdelay $0x2  }
0x185: {  	s0 =	sshra.s32 s31, $0x2;
	s31 =	sadd.s32 $0x40, s31  }
0x186: {  	v4 =	vld [tilespmem:s0+$0x0];
	_ =	sdelay $0x4  }
0x187: {  	v5 =	vshrl.u32 v4, $0x15  }
0x188: {  	vm0 =	veq.s32 v5, v0  }
0x189: {  	v5 =	vmpcnt.ones.xlane vm0;
	_ =	sdelay $0x1  }
0x18a: {  	(v2sf) =	vpush v5, $0x0;
	_ =	sdelay $0xc  }
0x18b: {  	s0 =	spop (v2sf)  }
0x18c: {  	s0 =	sadd.s32 s30, s0  }
0x18d: {  	[tilespmem:s0+$0x4000] =	vst.msk vm0, v4;
	s30 =	spop (v2sf)  }
0x18e: {  	_ =	swait.ge [sflag:s24], $0x2000  }
0x18f: {  	[sflag:s24] =	ssyncset.done $0x0  }
0x190: {  	s31 =	simm.s32 $0x0;
	[sflag:s24] =	ssyncadd.s32 $0xFFFFE000  }
0x191: {  	[tilespmem:s31], [sflag:$0x1] =	stream.linear.gather [hbm4b:s15+s31], $0x2000, $0x38;
	[tilespmem:$0x10200] =	vst v63  }
0x192: {  	s31 =	simm.s32 $0x0  }
0x193: {  	v4 =	vld [tilespmem:s31+$0x2000];
	_ =	sdelay $0x4  }
0x194: {  	v5 =	vshrl.u32 v4, $0x15  }
0x195: {  	vm15 =	veq.s32 v5, v0  }
0x196: {  	v5 =	vmpcnt.ones.xlane vm15;
	_ =	sdelay $0x1  }
0x197: {  	(v2sf) =	vpush v5, $0x0;
	_ =	sdelay $0x2  }
0x198: {  	s30 =	sadd.s32 s0, s30  }
0x199: {  	p0 =	sgt.s32 s30, $0x1FFF  }
0x19a: {  	s30 =	simm.s32 @p0 $0x0  }
0x19b: {  	s0 =	simm.s32 $0x10;
	s31 =	simm.s32 $0x80;
	[tilespmem:s30+$0x4000] =	vst.msk vm15, v4  }
.LBB2_26:
0x19c: {  	p0 =	sne.s32 s31, $0x7FC0;
	v4 =	vld [tilespmem:s0+$0x2000];
	_ =	sdelay $0x4  }
0x19d: {  	v5 =	vshrl.u32 v4, $0x15  }
0x19e: {  	vm0 =	veq.s32 v5, v0  }
0x19f: {  	v5 =	vmpcnt.ones.xlane vm0  }
0x1a0: {  	s0 =	spop (v2sf)  }
0x1a1: {  	(v2sf) =	vpush v5, $0x0;
	s30 =	sadd.s32 s30, s0  }
0x1a2: {  	[tilespmem:s30+$0x4000] =	vst.msk vm0, v4  }
.Ltmp12:
0x1a3: {  	(pc) =	sbr.rel @p0 .LBB2_26-.Ltmp12, $2  }
0x1a4: {  	_ =	sdelay $0x2  }
0x1a5: {  	s0 =	sshra.s32 s31, $0x2;
	s31 =	sadd.s32 $0x40, s31  }
0x1a6: {  	v4 =	vld [tilespmem:s0+$0x2000];
	_ =	sdelay $0x4  }
0x1a7: {  	v5 =	vshrl.u32 v4, $0x15  }
0x1a8: {  	vm0 =	veq.s32 v5, v0  }
0x1a9: {  	v5 =	vmpcnt.ones.xlane vm0;
	_ =	sdelay $0x1  }
0x1aa: {  	(v2sf) =	vpush v5, $0x0;
	_ =	sdelay $0xc  }
0x1ab: {  	s0 =	spop (v2sf)  }
0x1ac: {  	s0 =	sadd.s32 s30, s0  }
0x1ad: {  	[tilespmem:s0+$0x4000] =	vst.msk vm0, v4;
	s30 =	spop (v2sf)  }
0x1ae: {  	_ =	swait.ge [sflag:s22], $0x2000  }
0x1af: {  	[sflag:s22] =	ssyncset.done $0x0  }
0x1b0: {  	s31 =	simm.s32 $0x0;
	[sflag:s22] =	ssyncadd.s32 $0xFFFFE000  }
0x1b1: {  	[tilespmem:s23], [sflag:$0x2] =	stream.linear.gather [hbm4b:s16+s31], $0x2000, $0x38;
	[tilespmem:$0x10200] =	vst v63  }
0x1b2: {  	s31 =	simm.s32 $0x0  }
0x1b3: {  	v4 =	vld [tilespmem:s31+$0x0];
	_ =	sdelay $0x4  }
0x1b4: {  	v5 =	vshrl.u32 v4, $0x15  }
0x1b5: {  	vm15 =	veq.s32 v5, v0  }
0x1b6: {  	v5 =	vmpcnt.ones.xlane vm15;
	_ =	sdelay $0x1  }
0x1b7: {  	(v2sf) =	vpush v5, $0x0;
	_ =	sdelay $0x2  }
0x1b8: {  	s30 =	sadd.s32 s0, s30  }
0x1b9: {  	p0 =	sgt.s32 s30, $0x1FFF  }
0x1ba: {  	s30 =	simm.s32 @p0 $0x0  }
0x1bb: {  	s0 =	simm.s32 $0x10;
	s31 =	simm.s32 $0x80;
	[tilespmem:s30+$0x4000] =	vst.msk vm15, v4  }
.LBB2_28:
0x1bc: {  	p0 =	sne.s32 s31, $0x7FC0;
	v4 =	vld [tilespmem:s0+$0x0];
	_ =	sdelay $0x4  }
0x1bd: {  	v5 =	vshrl.u32 v4, $0x15  }
0x1be: {  	vm0 =	veq.s32 v5, v0  }
0x1bf: {  	v5 =	vmpcnt.ones.xlane vm0  }
0x1c0: {  	s0 =	spop (v2sf)  }
0x1c1: {  	(v2sf) =	vpush v5, $0x0;
	s30 =	sadd.s32 s30, s0  }
0x1c2: {  	[tilespmem:s30+$0x4000] =	vst.msk vm0, v4  }
.Ltmp13:
0x1c3: {  	(pc) =	sbr.rel @p0 .LBB2_28-.Ltmp13, $2  }
0x1c4: {  	_ =	sdelay $0x2  }
0x1c5: {  	s0 =	sshra.s32 s31, $0x2;
	s31 =	sadd.s32 $0x40, s31  }
0x1c6: {  	v4 =	vld [tilespmem:s0+$0x0];
	_ =	sdelay $0x4  }
0x1c7: {  	v5 =	vshrl.u32 v4, $0x15  }
0x1c8: {  	vm0 =	veq.s32 v5, v0  }
0x1c9: {  	v5 =	vmpcnt.ones.xlane vm0;
	_ =	sdelay $0x1  }
0x1ca: {  	(v2sf) =	vpush v5, $0x0;
	_ =	sdelay $0xc  }
0x1cb: {  	s0 =	spop (v2sf)  }
0x1cc: {  	s0 =	sadd.s32 s30, s0  }
0x1cd: {  	[tilespmem:s0+$0x4000] =	vst.msk vm0, v4;
	s30 =	spop (v2sf)  }
0x1ce: {  	_ =	swait.ge [sflag:s24], $0x2000  }
0x1cf: {  	[sflag:s24] =	ssyncset.done $0x0  }
0x1d0: {  	s31 =	simm.s32 $0x0;
	[sflag:s24] =	ssyncadd.s32 $0xFFFFE000  }
0x1d1: {  	[tilespmem:s31], [sflag:$0x1] =	stream.linear.gather [hbm4b:s17+s31], $0x2000, $0x38;
	[tilespmem:$0x10200] =	vst v63  }
0x1d2: {  	s31 =	simm.s32 $0x0  }
0x1d3: {  	v4 =	vld [tilespmem:s31+$0x2000];
	_ =	sdelay $0x4  }
0x1d4: {  	v5 =	vshrl.u32 v4, $0x15  }
0x1d5: {  	vm15 =	veq.s32 v5, v0  }
0x1d6: {  	v5 =	vmpcnt.ones.xlane vm15;
	_ =	sdelay $0x1  }
0x1d7: {  	(v2sf) =	vpush v5, $0x0;
	_ =	sdelay $0x2  }
0x1d8: {  	s30 =	sadd.s32 s0, s30  }
0x1d9: {  	p0 =	sgt.s32 s30, $0x1FFF  }
0x1da: {  	s30 =	simm.s32 @p0 $0x0  }
0x1db: {  	s0 =	simm.s32 $0x10;
	s31 =	simm.s32 $0x80;
	[tilespmem:s30+$0x4000] =	vst.msk vm15, v4  }
.LBB2_30:
0x1dc: {  	p0 =	sne.s32 s31, $0x7FC0;
	v4 =	vld [tilespmem:s0+$0x2000];
	_ =	sdelay $0x4  }
0x1dd: {  	v5 =	vshrl.u32 v4, $0x15  }
0x1de: {  	vm0 =	veq.s32 v5, v0  }
0x1df: {  	v5 =	vmpcnt.ones.xlane vm0  }
0x1e0: {  	s0 =	spop (v2sf)  }
0x1e1: {  	(v2sf) =	vpush v5, $0x0;
	s30 =	sadd.s32 s30, s0  }
0x1e2: {  	[tilespmem:s30+$0x4000] =	vst.msk vm0, v4  }
.Ltmp14:
0x1e3: {  	(pc) =	sbr.rel @p0 .LBB2_30-.Ltmp14, $2  }
0x1e4: {  	_ =	sdelay $0x2  }
0x1e5: {  	s0 =	sshra.s32 s31, $0x2;
	s31 =	sadd.s32 $0x40, s31  }
0x1e6: {  	v4 =	vld [tilespmem:s0+$0x2000];
	_ =	sdelay $0x4  }
0x1e7: {  	v5 =	vshrl.u32 v4, $0x15  }
0x1e8: {  	vm0 =	veq.s32 v5, v0  }
0x1e9: {  	v5 =	vmpcnt.ones.xlane vm0;
	_ =	sdelay $0x1  }
0x1ea: {  	(v2sf) =	vpush v5, $0x0;
	_ =	sdelay $0xc  }
0x1eb: {  	s0 =	spop (v2sf)  }
0x1ec: {  	s0 =	sadd.s32 s30, s0  }
0x1ed: {  	[tilespmem:s0+$0x4000] =	vst.msk vm0, v4;
	s30 =	spop (v2sf)  }
0x1ee: {  	_ =	swait.ge [sflag:s22], $0x2000  }
0x1ef: {  	[sflag:s22] =	ssyncset.done $0x0  }
0x1f0: {  	s31 =	simm.s32 $0x0;
	[sflag:s22] =	ssyncadd.s32 $0xFFFFE000  }
0x1f1: {  	[tilespmem:s23], [sflag:$0x2] =	stream.linear.gather [hbm4b:s18+s31], $0x2000, $0x38;
	[tilespmem:$0x10200] =	vst v63  }
0x1f2: {  	s31 =	simm.s32 $0x0  }
0x1f3: {  	v4 =	vld [tilespmem:s31+$0x0];
	_ =	sdelay $0x4  }
0x1f4: {  	v5 =	vshrl.u32 v4, $0x15  }
0x1f5: {  	vm15 =	veq.s32 v5, v0  }
0x1f6: {  	v5 =	vmpcnt.ones.xlane vm15;
	_ =	sdelay $0x1  }
0x1f7: {  	(v2sf) =	vpush v5, $0x0;
	_ =	sdelay $0x2  }
0x1f8: {  	s30 =	sadd.s32 s0, s30  }
0x1f9: {  	p0 =	sgt.s32 s30, $0x1FFF  }
0x1fa: {  	s30 =	simm.s32 @p0 $0x0  }
0x1fb: {  	s0 =	simm.s32 $0x10;
	s31 =	simm.s32 $0x80;
	[tilespmem:s30+$0x4000] =	vst.msk vm15, v4  }
.LBB2_32:
0x1fc: {  	p0 =	sne.s32 s31, $0x7FC0;
	v4 =	vld [tilespmem:s0+$0x0];
	_ =	sdelay $0x4  }
0x1fd: {  	v5 =	vshrl.u32 v4, $0x15  }
0x1fe: {  	vm0 =	veq.s32 v5, v0  }
0x1ff: {  	v5 =	vmpcnt.ones.xlane vm0  }
0x200: {  	s0 =	spop (v2sf)  }
0x201: {  	(v2sf) =	vpush v5, $0x0;
	s30 =	sadd.s32 s30, s0  }
0x202: {  	[tilespmem:s30+$0x4000] =	vst.msk vm0, v4  }
.Ltmp15:
0x203: {  	(pc) =	sbr.rel @p0 .LBB2_32-.Ltmp15, $2  }
0x204: {  	_ =	sdelay $0x2  }
0x205: {  	s0 =	sshra.s32 s31, $0x2;
	s31 =	sadd.s32 $0x40, s31  }
0x206: {  	v4 =	vld [tilespmem:s0+$0x0];
	_ =	sdelay $0x4  }
0x207: {  	v5 =	vshrl.u32 v4, $0x15  }
0x208: {  	vm0 =	veq.s32 v5, v0  }
0x209: {  	v5 =	vmpcnt.ones.xlane vm0;
	_ =	sdelay $0x1  }
0x20a: {  	(v2sf) =	vpush v5, $0x0;
	_ =	sdelay $0xc  }
0x20b: {  	s0 =	spop (v2sf)  }
0x20c: {  	s0 =	sadd.s32 s30, s0  }
0x20d: {  	[tilespmem:s0+$0x4000] =	vst.msk vm0, v4;
	s30 =	spop (v2sf)  }
0x20e: {  	_ =	swait.ge [sflag:s24], $0x2000  }
0x20f: {  	[sflag:s24] =	ssyncset.done $0x0  }
0x210: {  	s31 =	simm.s32 $0x0;
	[sflag:s24] =	ssyncadd.s32 $0xFFFFE000  }
0x211: {  	v4 =	vld [tilespmem:s31+$0x2000];
	_ =	sdelay $0x4  }
0x212: {  	v5 =	vshrl.u32 v4, $0x15  }
0x213: {  	vm15 =	veq.s32 v5, v0  }
0x214: {  	v5 =	vmpcnt.ones.xlane vm15;
	_ =	sdelay $0x1  }
0x215: {  	(v2sf) =	vpush v5, $0x0;
	_ =	sdelay $0x2  }
0x216: {  	s30 =	sadd.s32 s0, s30  }
0x217: {  	p0 =	sgt.s32 s30, $0x1FFF  }
0x218: {  	s30 =	simm.s32 @p0 $0x0  }
0x219: {  	s0 =	simm.s32 $0x10;
	s31 =	simm.s32 $0x80;
	[tilespmem:s30+$0x4000] =	vst.msk vm15, v4  }
.LBB2_34:
0x21a: {  	p0 =	sne.s32 s31, $0x7FC0;
	v4 =	vld [tilespmem:s0+$0x2000];
	_ =	sdelay $0x4  }
0x21b: {  	v5 =	vshrl.u32 v4, $0x15  }
0x21c: {  	vm0 =	veq.s32 v5, v0  }
0x21d: {  	v5 =	vmpcnt.ones.xlane vm0  }
0x21e: {  	s0 =	spop (v2sf)  }
0x21f: {  	(v2sf) =	vpush v5, $0x0;
	s30 =	sadd.s32 s30, s0  }
0x220: {  	[tilespmem:s30+$0x4000] =	vst.msk vm0, v4  }
.Ltmp16:
0x221: {  	(pc) =	sbr.rel @p0 .LBB2_34-.Ltmp16, $2  }
0x222: {  	_ =	sdelay $0x2  }
0x223: {  	s0 =	sshra.s32 s31, $0x2;
	s31 =	sadd.s32 $0x40, s31  }
0x224: {  	_ = 	snop  }
0x225: {  	v4 =	vld [tilespmem:s0+$0x2000];
	_ =	sdelay $0x4  }
0x226: {  	v5 =	vshrl.u32 v4, $0x15  }
0x227: {  	vm0 =	veq.s32 v5, v0  }
0x228: {  	v5 =	vmpcnt.ones.xlane vm0;
	s31 =	spop (v2sf)  }
0x229: {  	s0 =	sadd.s32 s30, s31  }
0x22a: {  	(v2sf) =	vpush v5, $0x0;
	[tilespmem:s0+$0x4000] =	vst.msk vm0, v4  }
0x22b: {  	v4 =	vld [tilespmem:$0x10100]  }
0x22c: {  	v5 =	vld [tilespmem:$0x10110]  }
0x22d: {  	v6 =	vld [tilespmem:$0x10120]  }
0x22e: {  	v7 =	vld [tilespmem:$0x10130]  }
0x22f: {  	v8 =	vld [tilespmem:$0x10140]  }
0x230: {  	v9 =	vld [tilespmem:$0x10150];
	v4 =	vcvt.s32.f32 v4  }
0x231: {  	v10 =	vld [tilespmem:$0x10160];
	v5 =	vcvt.s32.f32 v5  }
0x232: {  	v63 =	vld [tilespmem:$0x10170];
	[tilespmem:$0x10180] =	vst v4;
	v4 =	vcvt.s32.f32 v6  }
0x233: {  	[tilespmem:$0x10190] =	vst v5;
	v5 =	vcvt.s32.f32 v7  }
0x234: {  	[tilespmem:$0x101A0] =	vst v4;
	v4 =	vcvt.s32.f32 v8  }
0x235: {  	[tilespmem:$0x101B0] =	vst v5;
	v5 =	vcvt.s32.f32 v9  }
0x236: {  	[tilespmem:$0x101C0] =	vst v4;
	v4 =	vcvt.s32.f32 v10  }
0x237: {  	[tilespmem:$0x101D0] =	vst v5;
	v5 =	vcvt.s32.f32 v63  }
0x238: {  	[tilespmem:$0x101E0] =	vst v4  }
0x239: {  	s31 =	spop (v2sf);
	[tilespmem:$0x101F0] =	vst v5  }
0x23a: {  	[hbm4b:s19+s2] =	stream.linear.scatter [tilespmem:s25], [sflag:$0x3], $0x4000, $0x38;
	[tilespmem:$0x10200] =	vst v63  }
0x23b: {  	s29 =	sadd.s32 $0x1, s29;
	_ =	swait.ge [sflag:s26], $0x4000  }
0x23c: {  	p0 =	sne.s32 s29, s21;
	[sflag:s26] =	ssyncset.done $0x0  }
.Ltmp17:
0x23d: {  	[sflag:s26] =	ssyncadd.s32 $0xFFFFC000;
	(pc) =	sbr.rel @p0 .LBB2_1-.Ltmp17, $4  }
0x23e: {  	[hbm4b:s20+s2] =	stream.linear.scatter [tilespmem:s28], [sflag:$0x3], $0x80, $0x38;
	[tilespmem:$0x10200] =	vst v63  }
0x23f: {  	_ =	swait.ge [sflag:s26], $0x80  }
0x240: {  	[sflag:s26] =	ssyncset.done $0x0  }
0x241: {  	[sflag:s26] =	ssyncadd.s32 $0xFFFFFF80  }
0x242: {  	_ =	sfence.sel $0x180000  }
0x243: {  	[bflag:$0x0] =	sbarrier.arrive $0xFFFF  }
0x244: {  	_ =	strace $0x90000047  }
0x245: {  	[bflag:$0x2] =	sbarrier.arrive $0xFFFF  }
0x246: {  	p0 =	sne.s32 s1, $0x0;
	s0 =	rddreg [dreg:$0x1]  }
0x247: {  	s0 =	sadd.s32 @!p0 $0x100000, s0  }
0x248: {  	[sflag:s0] =	ssyncadd.tile.s32 @!p0 $0x1;
	_ =	shalt  }
.Lfunc_end2:
_tile_overlayer_lowered:
.L_overlay_start_2:
0x249: {  	(tag) =	ssettag $0x2  }
0x24a: {  	s0 =	rddreg [dreg:$0x0];
	s2 =	stileid.u32  }
0x24b: {  	s1 =	rddreg [dreg:$0x1];
	p0 =	sne.s32 s2, $0x0  }
0x24c: {  	s3 =	rddreg [dreg:$0x2];
	[bflag:$0x3] =	sbarrier.arrive $0xFFFF;
	s2 =	simm.s32 @!p0 $0x1C03  }
0x24d: {  	[timem:s3], [sflag:s2] =	dma.local @!p0 [hbm:s0], s1  }
0x24e: {  	s0 =	simm.s32 @!p0 $0x3  }
0x24f: {  	_ =	swait.ge @!p0 [sflag:s0], s1  }
0x250: {  	s1 =	ssub.s32 @!p0 $0x0, s1;
	[sflag:s0] =	ssyncset.done @!p0 $0x0  }
0x251: {  	[sflag:s0] =	ssyncadd.s32 @!p0 s1  }
0x252: {  	[bflag:$0x3] =	sbarrier.arrive $0xFFFF  }
0x253: {  	_ =	shalt  }

// kernel: kernel.9.cloned.1.call-start
scs
__scs_entry_jumppad:
0x0: {  	(pc) =	sbr.rel $0x88, $3  }
0x1: {  	(tag) =	ssettag $0x0;
	lr =	simm.s32 $0x1  }
0x2: {  	[smem:$0x3F9A] =	sst lr;
	_ =	strace $0xD0000000  }
0x3: {  	_ = 	snop  }
0x4: {  	_ = 	snop  }
0x5: {  	_ = 	snop  }
0x6: {  	_ = 	snop  }
0x7: {  	_ = 	snop  }
__scs_overlays_trampoline_lowered:
0x8: {  	[smem:$0x3FA9] =	sst s0  }
0x9: {  	[smem:$0x3FAA] =	sst s1  }
0xa: {  	[smem:$0x3FAB] =	sst s2  }
0xb: {  	[smem:$0x3FAC] =	sst s3  }
0xc: {  	[smem:$0x3FAD] =	sst s4  }
0xd: {  	[smem:$0x3FAE] =	sst s5  }
0xe: {  	[smem:$0x3FAF] =	sst s6  }
0xf: {  	[smem:$0x3FB0] =	sst s7  }
0x10: {  	[smem:$0x3FB1] =	sst s8  }
0x11: {  	[smem:$0x3FB2] =	sst s9;
	s0 =	simm.s32 @!p0 $0x0  }
0x12: {  	s1 =	sld [smem:$0x3F98];
	s0 =	simm.s32 @p0 $0x1  }
0x13: {  	[smem:$0x3FB3] =	sst s0;
	s0 =	simm.s32 @!p1 $0x0  }
0x14: {  	s2 =	sld [smem:$0x3F97];
	s0 =	simm.s32 @p1 $0x1  }
0x15: {  	[smem:$0x3FB4] =	sst s0;
	s0 =	simm.s32 @!p2 $0x0  }
0x16: {  	s3 =	sld [smem:$0x3FDB];
	s0 =	simm.s32 @p2 $0x1  }
0x17: {  	s4 =	simm.s32 $0x1BF5;
	[smem:$0x3FB6] =	sst s0  }
0x18: {  	s0 =	sld [smem:$0x3F99];
	_ =	swait.ge [sflag:s4], $0x0  }
0x19: {  	s7 =	sld [smem:$0x3F9A]  }
0x1a: {  	s8 =	sadd.s32 $0xFFFFE003, lr  }
0x1b: {  	s9 =	sadd.s32 $0xFFFFFEF7, lr;
	s5 =	simm.s32 $0xFFFFFFFF;
	p2 =	slt.u32 s8, $0xFFFFF086  }
0x1c: {  	p1 =	slt.u32 s9, $0xF7A;
	s5 =	simm.s32 @!p2 $0x0  }
0x1d: {  	s5 =	simm.s32 @p1 $0x1;
	p0 =	seq.s32 s7, s2  }
0x1e: {  	s7 =	smul.u32 @!p0 $0xF7A, s2;
	p2 =	seq.s32 @!p0 s5, $0x0  }
0x1f: {  	s9 =	smul.u32 $0xF7A, s1;
	s8 =	simm.s32 @!p0 $0x1BF5;
	p2 =	por !p2, p0  }
0x20: {  	[sflag:s8] =	ssyncset.s32 @!p0 $0xFFFFF086;
	s6 =	sadd.s32 @!p0 s3, s7;
	s7 =	simm.s32 @!p0 $0x108  }
0x21: {  	s3 =	sadd.s32 s3, s9;
	s6 =	sadd.s32 @!p0 $0x88, s6;
	s7 =	simm.s32 @p2 $0x1082  }
0x22: {  	[simem:s7], [sflag:s8] =	dma.local @!p0 [hbm:s6], $0xF7A  }
0x23: {  	s9 =	sor.u32 $0xD0000000, s2;
	s6 =	simm.s32 $0x108;
	_ =	swait.ge @!p0 [sflag:s8], $0x0  }
0x24: {  	s3 =	sadd.s32 $0x88, s3;
	s6 =	simm.s32 @!p1 $0x1082;
	[sflag:s4] =	ssyncset.s32 $0xFFFFF086  }
0x25: {  	[simem:s6], [sflag:s4] =	dma.local [hbm:s3], $0xF7A  }
0x26: {  	[smem:$0x3F9A] =	sst s1;
	(tag) =	ssettag s2;
	_ =	strace s9  }
0x27: {  	s1 =	sld [smem:$0x3FAA]  }
0x28: {  	s2 =	sld [smem:$0x3FAB]  }
0x29: {  	s4 =	sld [smem:$0x3FAD]  }
0x2a: {  	p0 =	seq.s32 s5, $0x0;
	s5 =	sld [smem:$0x3FAE]  }
0x2b: {  	s6 =	sld [smem:$0x3FAF]  }
0x2c: {  	s7 =	sld [smem:$0x3FB0]  }
0x2d: {  	s3 =	simm.s32 $0x108;
	s8 =	sld [smem:$0x3FB1]  }
0x2e: {  	s3 =	simm.s32 @!p0 $0x1082;
	s9 =	sld [smem:$0x3FB2]  }
0x2f: {  	lr =	sadd.s32 s0, s3;
	s0 =	sld [smem:$0x3FA9]  }
0x30: {  	s3 =	sld [smem:$0x3FAC]  }
0x31: {  	[smem:$0x3FB5] =	sst s10  }
0x32: {  	s10 =	sld [smem:$0x3FB3];
	_ =	sdelay $0x3  }
0x33: {  	p0 =	seq.s32 s10, $0x1;
	s10 =	sld [smem:$0x3FB5];
	_ =	sdelay $0x3  }
0x34: {  	[smem:$0x3FB5] =	sst s10  }
0x35: {  	s10 =	sld [smem:$0x3FB4];
	_ =	sdelay $0x3  }
0x36: {  	p1 =	seq.s32 s10, $0x1;
	s10 =	sld [smem:$0x3FB5];
	_ =	sdelay $0x3  }
0x37: {  	[smem:$0x3FB5] =	sst s10  }
0x38: {  	s10 =	sld [smem:$0x3FB6]  }
0x39: {  	_ = 	snop;
	(pc) =	sbr.ind lr, $3  }
0x3a: {  	_ = 	snop  }
0x3b: {  	_ = 	snop  }
0x3c: {  	p2 =	seq.s32 s10, $0x1;
	s10 =	sld [smem:$0x3FB5]  }
0x3d: {  	_ =	shalt  }
0x3e: {  	_ =	shalt  }
0x3f: {  	_ =	shalt  }
0x40: {  	_ =	shalt  }
0x41: {  	_ =	shalt  }
0x42: {  	_ =	shalt  }
0x43: {  	_ =	shalt  }
0x44: {  	_ =	shalt  }
0x45: {  	_ =	shalt  }
0x46: {  	_ =	shalt  }
0x47: {  	_ =	shalt  }
0x48: {  	_ =	shalt  }
0x49: {  	_ =	shalt  }
0x4a: {  	_ =	shalt  }
0x4b: {  	_ =	shalt  }
0x4c: {  	_ =	shalt  }
0x4d: {  	_ =	shalt  }
0x4e: {  	_ =	shalt  }
0x4f: {  	_ =	shalt  }
0x50: {  	_ =	shalt  }
0x51: {  	_ =	shalt  }
0x52: {  	_ =	shalt  }
0x53: {  	_ =	shalt  }
0x54: {  	_ =	shalt  }
0x55: {  	_ =	shalt  }
0x56: {  	_ =	shalt  }
0x57: {  	_ =	shalt  }
0x58: {  	_ =	shalt  }
0x59: {  	_ =	shalt  }
0x5a: {  	_ =	shalt  }
0x5b: {  	_ =	shalt  }
0x5c: {  	_ =	shalt  }
0x5d: {  	_ =	shalt  }
0x5e: {  	_ =	shalt  }
0x5f: {  	_ =	shalt  }
0x60: {  	_ =	shalt  }
0x61: {  	_ =	shalt  }
0x62: {  	_ =	shalt  }
0x63: {  	_ =	shalt  }
0x64: {  	_ =	shalt  }
0x65: {  	_ =	shalt  }
0x66: {  	_ =	shalt  }
0x67: {  	_ =	shalt  }
0x68: {  	_ =	shalt  }
0x69: {  	_ =	shalt  }
0x6a: {  	_ =	shalt  }
0x6b: {  	_ =	shalt  }
0x6c: {  	_ =	shalt  }
0x6d: {  	_ =	shalt  }
0x6e: {  	_ =	shalt  }
0x6f: {  	_ =	shalt  }
0x70: {  	_ =	shalt  }
0x71: {  	_ =	shalt  }
0x72: {  	_ =	shalt  }
0x73: {  	_ =	shalt  }
0x74: {  	_ =	shalt  }
0x75: {  	_ =	shalt  }
0x76: {  	_ =	shalt  }
0x77: {  	_ =	shalt  }
0x78: {  	_ =	shalt  }
0x79: {  	_ =	shalt  }
0x7a: {  	_ =	shalt  }
0x7b: {  	_ =	shalt  }
0x7c: {  	_ =	shalt  }
0x7d: {  	_ =	shalt  }
0x7e: {  	_ =	shalt  }
0x7f: {  	_ =	shalt  }
0x80: {  	_ =	shalt  }
0x81: {  	_ =	shalt  }
0x82: {  	_ =	shalt  }
0x83: {  	_ =	shalt  }
0x84: {  	_ =	shalt  }
0x85: {  	_ =	shalt  }
0x86: {  	_ =	shalt  }
0x87: {  	_ =	shalt  }
.Lfunc_end0:
.L_simem_size_0:
called_computation.1_lowered:
.L_overlay_start_0:
0x88: {  	s2 =	sld [smem:$0x3FD9]  }
0x89: {  	s3 =	sld [smem:$0x3FFE];
	_ =	sdelay $0x1  }
0x8a: {  	s1 =	srdreg.scid  }
0x8b: {  	s0 =	sand.u32 $0x1, s1  }
0x8c: {  	s17 =	sshll.u32 s0, $0xA;
	s2 =	sadd.s32 s3, s2  }
0x8d: {  	s2 =	sadd.s32 s2, s17  }
0x8e: {  	[smem:$0x3FC1] =	sst s2  }
0x8f: {  	_ = 	snop  }
0x90: {  	s2 =	sld [smem:$0x3FD0];
	(tm) =	ssettm $0x1  }
0x91: {  	s18 =	sld [smem:$0x3FFB];
	_ =	sdelay $0x3  }
0x92: {  	_ =	strace s18  }
0x93: {  	s3 =	sld [smem:$0x3FFC];
	_ =	sdelay $0x3  }
0x94: {  	_ =	strace s3  }
0x95: {  	s3 =	sld [smem:$0x3FFD];
	_ =	sdelay $0x3  }
0x96: {  	_ =	strace s3  }
0x97: {  	_ =	strace $0x8FFFFFFF  }
0x98: {  	s19 =	sld [smem:$0x3FDB];
	_ =	sdelay $0x1  }
0x99: {  	s4 =	simm.s32 $_scs_section_size  }
0x9a: {  	s5 =	simm.s32 $_size__tile_overlayer_lowered;
	s6 =	simm.s32 $_tile_overlayer_lowered  }
0x9b: {  	s22 =	simm.s32 $0x1BFF;
	s21 =	sshll.u32 s6, $0x1;
	s3 =	sadd.s32 s4, s19  }
0x9c: {  	s7 =	simm.s32 $0x0;
	s20 =	sshll.u32 s5, $0x1;
	s5 =	sadd.s32 s21, s3  }
0x9d: {  	[timem:s7], [sflag:s22] =	dma.local [hbm:s5], s20  }
0x9e: {  	_ =	swait.ge [sflag:s22], s20  }
0x9f: {  	s4 =	ssub.s32 $0x0, s20;
	[sflag:s22] =	ssyncset.done $0x0  }
0xa0: {  	[sflag:s22] =	ssyncadd.s32 s4;
	_ =	sdelay $0x1  }
0xa1: {  	s23 =	simm.s32 $0x1B8B  }
0xa2: {  	_ =	swait.ge [sflag:s23], $0x1  }
0xa3: {  	[sflag:s23] =	ssyncset.done $0x0  }
0xa4: {  	s25 =	simm.s32 $0x1B8E;
	s24 =	sld [smem:$0x3FFE];
	[sflag:s23] =	ssyncadd.s32 $0xFFFFFFFF  }
0xa5: {  	s26 =	simm.s32 $execute0_lowered;
	[smem:$0x3FD2] =	sst s25  }
0xa6: {  	s5 =	sshll.u32 s26, $0x1;
	_ =	strace $0x80000049;
	[dreg:$0x1] =	wrdreg $0xFFFFFFFF  }
0xa7: {  	s28 =	simm.s32 $_size_execute0_lowered;
	s3 =	sadd.s32 s3, s5;
	[dreg:$0x0] =	wrdreg $0x0  }
0xa8: {  	s5 =	sshll.u32 s28, $0x1;
	[dreg:$0x2] =	wrdreg s3  }
0xa9: {  	[dreg:$0x3] =	wrdreg s5  }
0xaa: {  	[dreg:$0x4] =	wrdreg $0xC0  }
0xab: {  	_ =	task [dreg:s7], $0x5FFFF  }
0xac: {  	[dreg:$0x1] =	wrdreg $0xFFFFFFFF  }
0xad: {  	[dreg:$0x0] =	wrdreg $0x60  }
0xae: {  	[dreg:$0x2] =	wrdreg s2  }
0xaf: {  	[dreg:$0x3] =	wrdreg s24  }
0xb0: {  	[dreg:$0x4] =	wrdreg $0x9  }
0xb1: {  	_ =	task.clear_ibuf [dreg:s7], $0x5FFFF;
	_ =	strace $0x90000049  }
0xb2: {  	s29 =	simm.s32 $0x9;
	_ =	strace $0x8000004B  }
0xb3: {  	_ =	swait.ge [sflag:s29], $0x1  }
0xb4: {  	[sflag:s29] =	ssyncadd.s32 $0xFFFFFFFF  }
0xb5: {  	_ =	strace $0x9000004B  }
0xb6: {  	_ =	sfence  }
0xb7: {  	s30 =	sld [smem:$0x0];
	_ =	sdelay $0x2  }
0xb8: {  	s31 =	sshll.u32 s1, $0xD;
	s1 =	sshrl.u32 s1, $0x2  }
0xb9: {  	s3 =	sand.u32 $0x4000, s31;
	s1 =	sadd.s32 s1, s30  }
0xba: {  	s0 =	sor.u32 s3, s0;
	s1 =	sshll.u32 s1, $0x11  }
0xbb: {  	s0 =	sor.u32 s1, s0  }
0xbc: {  	s0 =	sadd.s32 $0x8F2B, s0  }
0xbd: {  	[sflag:s0] =	ssyncadd.remote.s32 $0x1  }
0xbe: {  	_ =	sfence.sel $0xFFFF  }
0xbf: {  	[dreg:$0x0] =	wrdreg $0xFFFFFFFF;
	(pc) =	sbr.abs _section_cstart, $3  }
0xc0: {  	[dreg:$0x1] =	wrdreg $0xFFFFFFFF  }
0xc1: {  	_ =	task.clear_ibuf [dreg:s7], $0x2FFFF;
	_ =	strace $0x9FFFFFFF  }
0xc2: {  	(tm) =	ssettm $0x7FFFFFFF  }
0xc3: {  	_ =	shalt  }
tec
execute0_lowered:
.L_overlay_start_1:
0x0: {  	(tag) =	ssettag $0x1  }
0x1: {  	s1 =	rddreg [dreg:$0x0]  }
0x2: {  	s4 =	rddreg [dreg:$0x1]  }
0x3: {  	s2 =	srdreg.scid;
	s0 =	rddreg [dreg:$0x2]  }
0x4: {  	s3 =	simm.s32 $0x0;
	s12 =	simm.s32 $0x2;
	s13 =	simm.s32 $0xC100  }
0x5: {  	s14 =	simm.s32 $0x3;
	s15 =	simm.s32 $0xE180;
	s5 =	sand.u32 $0x1, s2  }
0x6: {  	s16 =	simm.s32 $0x0;
	s2 =	stileid.u32;
	s6 =	sshll.u32 s5, $0x4  }
0x7: {  	[smem:$0x7FF] =	sst s3;
	s5 =	ssub.s32 $0x2, s5;
	s11 =	sor.u32 s2, s6  }
0x8: {  	_ =	strace $0x8000004A;
	s8 =	sshrl.u32 s5, $0x1;
	s6 =	sshll.u32 s11, $0xA  }
0x9: {  	s31 =	sshll.u32 s11, $0x2;
	s10 =	ssub.s32 s5, s8;
	s5 =	sadd.s32 $0x800, s1  }
0xa: {  	v0 =	vmov s11;
	s11 =	simm.s32 $0x2000;
	s7 =	sadd.s32 s6, s4;
	s9 =	sadd.s32 s31, s4  }
0xb: {  	s4 =	sadd.s32 $0x400, s1;
	s6 =	sadd.s32 $0xC00, s1;
	s7 =	sadd.s32 $0x22200, s7  }
0xc: {  	v1 =	vimm.f32 $0.0e+00;
	v2 =	vimm.s32 $0x0;
	v3 =	vimm.s32 $0x1000;
	s8 =	sadd.s32 $0x22000, s9;
	s9 =	smax.u32 s10, $0x1;
	s10 =	simm.s32 $0x1  }
.LBB2_1:
0xd: {  	s17 =	sand.u32 $0x1800, s3;
	s18 =	sand.u32 $0x380, s3  }
0xe: {  	s17 =	sor.u32 s18, s17  }
0xf: {  	[tilespmem:s17+$0xC570] =	vst v1  }
0x10: {  	[tilespmem:s17+$0xC100] =	vst v1  }
0x11: {  	[tilespmem:s17+$0xC110] =	vst v1  }
0x12: {  	[tilespmem:s17+$0xC120] =	vst v1  }
0x13: {  	[tilespmem:s17+$0xC130] =	vst v1  }
0x14: {  	[tilespmem:s17+$0xC140] =	vst v1  }
0x15: {  	[tilespmem:s17+$0xC150] =	vst v1  }
0x16: {  	[tilespmem:s17+$0xC160] =	vst v1  }
0x17: {  	[tilespmem:s17+$0xC170] =	vst v1  }
0x18: {  	[tilespmem:s17+$0xC500] =	vst v1  }
0x19: {  	[tilespmem:s17+$0xC510] =	vst v1  }
0x1a: {  	[tilespmem:s17+$0xC520] =	vst v1  }
0x1b: {  	[tilespmem:s17+$0xC530] =	vst v1  }
0x1c: {  	s19 =	simm.s32 $0x100;
	s18 =	simm.s32 $0x80;
	[tilespmem:s17+$0xC540] =	vst v1  }
0x1d: {  	s20 =	sand.u32 $0x1800, s19;
	s19 =	simm.s32 $0x200;
	s21 =	sand.u32 $0x380, s18;
	[tilespmem:s17+$0xC550] =	vst v1  }
.LBB2_2:
0x1e: {  	p0 =	sne.s32 s19, $0x1F00;
	[tilespmem:s17+$0xC560] =	vst v1;
	s17 =	sor.u32 s21, s20  }
0x1f: {  	[tilespmem:s17+$0xC570] =	vst v1  }
0x20: {  	[tilespmem:s17+$0xC100] =	vst v1  }
0x21: {  	[tilespmem:s17+$0xC110] =	vst v1  }
0x22: {  	[tilespmem:s17+$0xC120] =	vst v1  }
0x23: {  	[tilespmem:s17+$0xC130] =	vst v1  }
0x24: {  	[tilespmem:s17+$0xC140] =	vst v1  }
0x25: {  	[tilespmem:s17+$0xC150] =	vst v1  }
0x26: {  	[tilespmem:s17+$0xC160] =	vst v1  }
0x27: {  	[tilespmem:s17+$0xC170] =	vst v1  }
0x28: {  	[tilespmem:s17+$0xC500] =	vst v1  }
.Ltmp0:
0x29: {  	[tilespmem:s17+$0xC510] =	vst v1;
	(pc) =	sbr.rel @p0 .LBB2_2-.Ltmp0, $4  }
0x2a: {  	[tilespmem:s17+$0xC520] =	vst v1  }
0x2b: {  	[tilespmem:s17+$0xC530] =	vst v1  }
0x2c: {  	s18 =	sadd.s32 $0x80, s18;
	[tilespmem:s17+$0xC540] =	vst v1  }
0x2d: {  	s20 =	sand.u32 $0x1800, s19;
	s19 =	sadd.s32 $0x100, s19;
	s21 =	sand.u32 $0x380, s18;
	[tilespmem:s17+$0xC550] =	vst v1  }
0x2e: {  	s18 =	sor.u32 s21, s20;
	[tilespmem:s17+$0xC560] =	vst v1  }
0x2f: {  	[tilespmem:s18+$0xC570] =	vst v1  }
0x30: {  	[tilespmem:s18+$0xC100] =	vst v1  }
0x31: {  	[tilespmem:s18+$0xC110] =	vst v1  }
0x32: {  	[tilespmem:s18+$0xC120] =	vst v1  }
0x33: {  	[tilespmem:s18+$0xC130] =	vst v1  }
0x34: {  	[tilespmem:s18+$0xC140] =	vst v1  }
0x35: {  	[tilespmem:s18+$0xC150] =	vst v1  }
0x36: {  	[tilespmem:s18+$0xC160] =	vst v1  }
0x37: {  	[tilespmem:s18+$0xC170] =	vst v1  }
0x38: {  	[tilespmem:s18+$0xC500] =	vst v1  }
0x39: {  	[tilespmem:s18+$0xC510] =	vst v1  }
0x3a: {  	[tilespmem:s18+$0xC520] =	vst v1  }
0x3b: {  	[tilespmem:s18+$0xC530] =	vst v1  }
0x3c: {  	[tilespmem:s18+$0xC540] =	vst v1  }
0x3d: {  	[tilespmem:s18+$0xC550] =	vst v1  }
0x3e: {  	[tilespmem:s18+$0xC560] =	vst v1  }
0x3f: {  	[tilespmem:$0xE100] =	vst v2  }
0x40: {  	[tilespmem:$0xE180] =	vst v1  }
0x41: {  	[tilespmem:$0xE110] =	vst v2  }
0x42: {  	[tilespmem:$0xE190] =	vst v1  }
0x43: {  	s17 =	simm.s32 $0x0;
	[tilespmem:$0xC080] =	vst v3  }
0x44: {  	[tilespmem:s17], [sflag:$0x1] =	stream.linear.gather [hbm4b:s1+s17], $0x2000, $0x38;
	[tilespmem:$0xE200] =	vst v63  }
0x45: {  	_ =	swait.ge [sflag:s10], $0x2000  }
0x46: {  	[sflag:s10] =	ssyncset.done $0x0  }
0x47: {  	s31 =	simm.s32 $0x0;
	[sflag:s10] =	ssyncadd.s32 $0xFFFFE000  }
0x48: {  	[tilespmem:s11], [sflag:$0x2] =	stream.linear.gather [hbm4b:s4+s17], $0x2000, $0x38;
	[tilespmem:$0xE200] =	vst v63  }
0x49: {  	v4 =	vld [tilespmem:s31+$0x0];
	_ =	sdelay $0x4  }
0x4a: {  	v5 =	vshrl.u32 v4, $0x13  }
0x4b: {  	vm0 =	veq.s32 v5, v0  }
0x4c: {  	v5 =	vmpcnt.ones.xlane vm0;
	_ =	sdelay $0x1  }
0x4d: {  	(v2sf) =	vpush v5, $0x0;
	_ =	sdelay $0x5  }
0x4e: {  	s19 =	simm.s32 $0x10;
	s18 =	simm.s32 $0x80;
	[tilespmem:s17+$0x4000] =	vst.msk vm0, v4  }
.LBB2_4:
0x4f: {  	p0 =	sne.s32 s18, $0x7FC0;
	v4 =	vld [tilespmem:s19+$0x0];
	_ =	sdelay $0x4  }
0x50: {  	v5 =	vshrl.u32 v4, $0x13  }
0x51: {  	vm0 =	veq.s32 v5, v0  }
0x52: {  	v5 =	vmpcnt.ones.xlane vm0  }
0x53: {  	s19 =	spop (v2sf)  }
0x54: {  	(v2sf) =	vpush v5, $0x0;
	s17 =	sadd.s32 s17, s19  }
0x55: {  	[tilespmem:s17+$0x4000] =	vst.msk vm0, v4  }
.Ltmp1:
0x56: {  	(pc) =	sbr.rel @p0 .LBB2_4-.Ltmp1, $2  }
0x57: {  	_ =	sdelay $0x2  }
0x58: {  	s19 =	sshra.s32 s18, $0x2;
	s18 =	sadd.s32 $0x40, s18  }
0x59: {  	v4 =	vld [tilespmem:s19+$0x0];
	_ =	sdelay $0x4  }
0x5a: {  	v5 =	vshrl.u32 v4, $0x13  }
0x5b: {  	vm0 =	veq.s32 v5, v0  }
0x5c: {  	v5 =	vmpcnt.ones.xlane vm0;
	_ =	sdelay $0x1  }
0x5d: {  	(v2sf) =	vpush v5, $0x0;
	_ =	sdelay $0xc  }
0x5e: {  	s18 =	spop (v2sf)  }
0x5f: {  	s17 =	sadd.s32 s17, s18  }
0x60: {  	[tilespmem:s17+$0x4000] =	vst.msk vm0, v4;
	s29 =	spop (v2sf)  }
0x61: {  	_ =	swait.ge [sflag:s12], $0x2000  }
0x62: {  	[sflag:s12] =	ssyncset.done $0x0  }
0x63: {  	s30 =	simm.s32 $0x0;
	s31 =	simm.s32 $0x0;
	[sflag:s12] =	ssyncadd.s32 $0xFFFFE000  }
0x64: {  	[tilespmem:s30], [sflag:$0x1] =	stream.linear.gather [hbm4b:s5+s30], $0x2000, $0x38;
	[tilespmem:$0xE200] =	vst v63  }
0x65: {  	v4 =	vld [tilespmem:s31+$0x2000];
	_ =	sdelay $0x4  }
0x66: {  	v5 =	vshrl.u32 v4, $0x13  }
0x67: {  	vm15 =	veq.s32 v5, v0  }
0x68: {  	v5 =	vmpcnt.ones.xlane vm15;
	_ =	sdelay $0x1  }
0x69: {  	(v2sf) =	vpush v5, $0x0;
	_ =	sdelay $0x2  }
0x6a: {  	s17 =	sadd.s32 s17, s29  }
0x6b: {  	p0 =	sgt.s32 s17, $0x1FFF  }
0x6c: {  	s17 =	simm.s32 @p0 $0x0  }
0x6d: {  	s19 =	simm.s32 $0x10;
	s18 =	simm.s32 $0x80;
	[tilespmem:s17+$0x4000] =	vst.msk vm15, v4  }
.LBB2_6:
0x6e: {  	p0 =	sne.s32 s18, $0x7FC0;
	v4 =	vld [tilespmem:s19+$0x2000];
	_ =	sdelay $0x4  }
0x6f: {  	v5 =	vshrl.u32 v4, $0x13  }
0x70: {  	vm0 =	veq.s32 v5, v0  }
0x71: {  	v5 =	vmpcnt.ones.xlane vm0  }
0x72: {  	s19 =	spop (v2sf)  }
0x73: {  	(v2sf) =	vpush v5, $0x0;
	s17 =	sadd.s32 s17, s19  }
0x74: {  	[tilespmem:s17+$0x4000] =	vst.msk vm0, v4  }
.Ltmp2:
0x75: {  	(pc) =	sbr.rel @p0 .LBB2_6-.Ltmp2, $2  }
0x76: {  	_ =	sdelay $0x2  }
0x77: {  	s19 =	sshra.s32 s18, $0x2;
	s18 =	sadd.s32 $0x40, s18  }
0x78: {  	v4 =	vld [tilespmem:s19+$0x2000];
	_ =	sdelay $0x4  }
0x79: {  	v5 =	vshrl.u32 v4, $0x13  }
0x7a: {  	vm0 =	veq.s32 v5, v0  }
0x7b: {  	v5 =	vmpcnt.ones.xlane vm0;
	_ =	sdelay $0x1  }
0x7c: {  	(v2sf) =	vpush v5, $0x0;
	_ =	sdelay $0xc  }
0x7d: {  	s18 =	spop (v2sf)  }
0x7e: {  	s17 =	sadd.s32 s17, s18  }
0x7f: {  	[tilespmem:s17+$0x4000] =	vst.msk vm0, v4;
	s29 =	spop (v2sf)  }
0x80: {  	_ =	swait.ge [sflag:s10], $0x2000  }
0x81: {  	[sflag:s10] =	ssyncset.done $0x0  }
0x82: {  	s30 =	simm.s32 $0x0;
	s31 =	simm.s32 $0x0;
	[sflag:s10] =	ssyncadd.s32 $0xFFFFE000  }
0x83: {  	[tilespmem:s11], [sflag:$0x2] =	stream.linear.gather [hbm4b:s6+s30], $0x2000, $0x38;
	[tilespmem:$0xE200] =	vst v63  }
0x84: {  	v4 =	vld [tilespmem:s31+$0x0];
	_ =	sdelay $0x4  }
0x85: {  	v5 =	vshrl.u32 v4, $0x13  }
0x86: {  	vm15 =	veq.s32 v5, v0  }
0x87: {  	v5 =	vmpcnt.ones.xlane vm15;
	_ =	sdelay $0x1  }
0x88: {  	(v2sf) =	vpush v5, $0x0;
	_ =	sdelay $0x2  }
0x89: {  	s17 =	sadd.s32 s17, s29  }
0x8a: {  	p0 =	sgt.s32 s17, $0x1FFF  }
0x8b: {  	s17 =	simm.s32 @p0 $0x0  }
0x8c: {  	s19 =	simm.s32 $0x10;
	s18 =	simm.s32 $0x80;
	[tilespmem:s17+$0x4000] =	vst.msk vm15, v4  }
.LBB2_8:
0x8d: {  	p0 =	sne.s32 s18, $0x7FC0;
	v4 =	vld [tilespmem:s19+$0x0];
	_ =	sdelay $0x4  }
0x8e: {  	v5 =	vshrl.u32 v4, $0x13  }
0x8f: {  	vm0 =	veq.s32 v5, v0  }
0x90: {  	v5 =	vmpcnt.ones.xlane vm0  }
0x91: {  	s19 =	spop (v2sf)  }
0x92: {  	(v2sf) =	vpush v5, $0x0;
	s17 =	sadd.s32 s17, s19  }
0x93: {  	[tilespmem:s17+$0x4000] =	vst.msk vm0, v4  }
.Ltmp3:
0x94: {  	(pc) =	sbr.rel @p0 .LBB2_8-.Ltmp3, $2  }
0x95: {  	_ =	sdelay $0x2  }
0x96: {  	s19 =	sshra.s32 s18, $0x2;
	s18 =	sadd.s32 $0x40, s18  }
0x97: {  	v4 =	vld [tilespmem:s19+$0x0];
	_ =	sdelay $0x4  }
0x98: {  	v5 =	vshrl.u32 v4, $0x13  }
0x99: {  	vm0 =	veq.s32 v5, v0  }
0x9a: {  	v5 =	vmpcnt.ones.xlane vm0;
	_ =	sdelay $0x1  }
0x9b: {  	(v2sf) =	vpush v5, $0x0;
	_ =	sdelay $0xc  }
0x9c: {  	s18 =	spop (v2sf)  }
0x9d: {  	s17 =	sadd.s32 s17, s18  }
0x9e: {  	[tilespmem:s17+$0x4000] =	vst.msk vm0, v4;
	s30 =	spop (v2sf)  }
0x9f: {  	_ =	swait.ge [sflag:s12], $0x2000  }
0xa0: {  	[sflag:s12] =	ssyncset.done $0x0  }
0xa1: {  	s31 =	simm.s32 $0x0;
	[sflag:s12] =	ssyncadd.s32 $0xFFFFE000  }
0xa2: {  	v4 =	vld [tilespmem:s31+$0x2000];
	_ =	sdelay $0x4  }
0xa3: {  	v5 =	vshrl.u32 v4, $0x13  }
0xa4: {  	vm15 =	veq.s32 v5, v0  }
0xa5: {  	v5 =	vmpcnt.ones.xlane vm15;
	_ =	sdelay $0x1  }
0xa6: {  	(v2sf) =	vpush v5, $0x0;
	_ =	sdelay $0x2  }
0xa7: {  	s17 =	sadd.s32 s17, s30  }
0xa8: {  	p0 =	sgt.s32 s17, $0x1FFF  }
0xa9: {  	s17 =	simm.s32 @p0 $0x0  }
0xaa: {  	s19 =	simm.s32 $0x10;
	s18 =	simm.s32 $0x80;
	[tilespmem:s17+$0x4000] =	vst.msk vm15, v4  }
.LBB2_10:
0xab: {  	p0 =	sne.s32 s18, $0x7FC0;
	v4 =	vld [tilespmem:s19+$0x2000];
	_ =	sdelay $0x4  }
0xac: {  	v5 =	vshrl.u32 v4, $0x13  }
0xad: {  	vm0 =	veq.s32 v5, v0  }
0xae: {  	v5 =	vmpcnt.ones.xlane vm0  }
0xaf: {  	s19 =	spop (v2sf)  }
0xb0: {  	(v2sf) =	vpush v5, $0x0;
	s17 =	sadd.s32 s17, s19  }
0xb1: {  	[tilespmem:s17+$0x4000] =	vst.msk vm0, v4  }
.Ltmp4:
0xb2: {  	(pc) =	sbr.rel @p0 .LBB2_10-.Ltmp4, $2  }
0xb3: {  	_ =	sdelay $0x2  }
0xb4: {  	s19 =	sshra.s32 s18, $0x2;
	s18 =	sadd.s32 $0x40, s18  }
0xb5: {  	v4 =	vld [tilespmem:s19+$0x2000];
	_ =	sdelay $0x4  }
0xb6: {  	v5 =	vshrl.u32 v4, $0x13  }
0xb7: {  	vm0 =	veq.s32 v5, v0  }
0xb8: {  	v5 =	vmpcnt.ones.xlane vm0;
	_ =	sdelay $0x1  }
0xb9: {  	(v2sf) =	vpush v5, $0x0;
	_ =	sdelay $0x1  }
0xba: {  	s18 =	spop (v2sf)  }
0xbb: {  	s17 =	sadd.s32 s17, s18  }
0xbc: {  	[tilespmem:s17+$0x4000] =	vst.msk vm0, v4  }
0xbd: {  	v4 =	vld [tilespmem:$0xE100]  }
0xbe: {  	v5 =	vld [tilespmem:$0xE110];
	_ =	sdelay $0x3  }
0xbf: {  	v4 =	vcvt.s32.f32 v4  }
0xc0: {  	v5 =	vcvt.s32.f32 v5  }
0xc1: {  	[tilespmem:$0xE180] =	vst v4  }
0xc2: {  	[tilespmem:$0xE190] =	vst v5  }
0xc3: {  	[hbm4b:s7+s3] =	stream.linear.scatter [tilespmem:s13], [sflag:$0x3], $0x2000, $0x38;
	[tilespmem:$0xE200] =	vst v63  }
0xc4: {  	s31 =	spop (v2sf)  }
0xc5: {  	s16 =	sadd.s32 $0x1, s16;
	_ =	swait.ge [sflag:s14], $0x2000  }
0xc6: {  	p0 =	sne.s32 s16, s9;
	[sflag:s14] =	ssyncset.done $0x0  }
.Ltmp5:
0xc7: {  	[sflag:s14] =	ssyncadd.s32 $0xFFFFE000;
	(pc) =	sbr.rel @p0 .LBB2_1-.Ltmp5, $4  }
0xc8: {  	[hbm4b:s8+s3] =	stream.linear.scatter [tilespmem:s15], [sflag:$0x3], $0x20, $0x38;
	[tilespmem:$0xE200] =	vst v63  }
0xc9: {  	_ =	swait.ge [sflag:s14], $0x20  }
0xca: {  	[sflag:s14] =	ssyncset.done $0x0  }
0xcb: {  	[sflag:s14] =	ssyncadd.s32 $0xFFFFFFE0  }
0xcc: {  	_ =	sfence.sel $0x180000  }
0xcd: {  	[bflag:$0x0] =	sbarrier.arrive $0xFFFF  }
0xce: {  	p0 =	sne.s32 s2, $0x0;
	_ =	strace $0x9000004A  }
0xcf: {  	s0 =	sadd.s32 @!p0 $0x100000, s0;
	[bflag:$0x2] =	sbarrier.arrive $0xFFFF  }
0xd0: {  	[sflag:s0] =	ssyncadd.tile.s32 @!p0 $0x1;
	_ =	shalt  }
.Lfunc_end2:
_tile_overlayer_lowered:
.L_overlay_start_2:
0xd1: {  	(tag) =	ssettag $0x2  }
0xd2: {  	s0 =	rddreg [dreg:$0x0];
	s2 =	stileid.u32  }
0xd3: {  	s1 =	rddreg [dreg:$0x1];
	p0 =	sne.s32 s2, $0x0  }
0xd4: {  	s3 =	rddreg [dreg:$0x2];
	[bflag:$0x3] =	sbarrier.arrive $0xFFFF;
	s2 =	simm.s32 @!p0 $0x1C03  }
0xd5: {  	[timem:s3], [sflag:s2] =	dma.local @!p0 [hbm:s0], s1  }
0xd6: {  	s0 =	simm.s32 @!p0 $0x3  }
0xd7: {  	_ =	swait.ge @!p0 [sflag:s0], s1  }
0xd8: {  	s1 =	ssub.s32 @!p0 $0x0, s1;
	[sflag:s0] =	ssyncset.done @!p0 $0x0  }
0xd9: {  	[sflag:s0] =	ssyncadd.s32 @!p0 s1  }
0xda: {  	[bflag:$0x3] =	sbarrier.arrive $0xFFFF  }
0xdb: {  	_ =	shalt  }

</sc_bundles>
